<compile_context>
chip_gen: v7x
topology: tpu7x:2x2x1
jax: 0.10.2.dev20260603
libtpu: 0.0.44.dev20260713+nightly
codegen_flags: <defaults>
</compile_context>

<pallas_src>
import functools

import numpy as np
import jax
import jax.numpy as jnp
from jax import lax
from jax.experimental import pallas as pl
from jax.experimental.pallas import tpu as pltpu
from jax.experimental.pallas import tpu_sc as plsc

_RADIUS = 0.1
_NSAMPLE = 32
_L = 16
_NC, _NS = 2, 16
_NW = _NC * _NS


@functools.lru_cache(maxsize=None)
def _build(B, N, NP, C):
    CPW = (B * NP) // _NW
    NCH = N // _L
    WPB = NP // CPW
    R2 = np.float32(_RADIUS * _RADIUS)

    mesh = plsc.VectorSubcoreMesh(core_axis_name="c", subcore_axis_name="s",
                                  num_cores=_NC, num_subcores=_NS)

    @functools.partial(
        pl.kernel,
        out_type=jax.ShapeDtypeStruct((B * (C + 3) * _NSAMPLE, NP),
                                      jnp.float32),
        mesh=mesh,
        compiler_params=pltpu.CompilerParams(needs_layout_passes=False),
        scratch_types=[
            pltpu.VMEM((3 * N,), jnp.float32),
            pltpu.VMEM((3 * CPW,), jnp.float32),
            pltpu.VMEM((CPW * _NSAMPLE + N + _L,), jnp.int32),
            pltpu.VMEM((2 * N,), jnp.float32),
            pltpu.VMEM((_NSAMPLE, CPW), jnp.float32),
            pltpu.VMEM((_NSAMPLE, CPW), jnp.float32),
            pltpu.SemaphoreType.DMA,
            pltpu.SemaphoreType.DMA,
            pltpu.SemaphoreType.DMA,
            pltpu.SemaphoreType.DMA,
        ],
    )
    def sc_kernel(xyzT, nxT, feat, out, pts, cents, stage, frow, ostage,
                  ostage1, semi0, semi1, semo0, semo1):
        wid = lax.axis_index("s") * _NC + lax.axis_index("c")
        b = wid // WPB
        p_base = (wid % WPB) * CPW
        xyz_base = b * 3 * N
        nx_base = b * 3 * NP + p_base
        feat_base = b * C * N
        out_row = b * (C + 3) * _NSAMPLE
        for d in range(3):
            pltpu.sync_copy(xyzT.at[pl.ds(xyz_base + d * N, N)],
                            pts.at[pl.ds(d * N, N)])
            pltpu.sync_copy(nxT.at[pl.ds(nx_base + d * NP, CPW)],
                            cents.at[pl.ds(d * CPW, CPW)])
        iot = lax.iota(jnp.int32, _L)

        def per_centroid(p, carry):
            pfull = jnp.full((_L,), p, jnp.int32)
            cx = plsc.load_gather(cents, [pfull])
            cy = plsc.load_gather(cents, [pfull + CPW])
            cz = plsc.load_gather(cents, [pfull + 2 * CPW])
            row = p * _NSAMPLE

            def chunk_body(i, found):
                base = i * _L
                xv = pts[pl.ds(base, _L)]
                yv = pts[pl.ds(N + base, _L)]
                zv = pts[pl.ds(2 * N + base, _L)]
                dx = cx - xv
                dy = cy - yv
                dz = cz - zv
                d2 = (dx * dx + dy * dy) + dz * dz
                hit = d2 < R2
                plsc.store_compressed(stage.at[pl.ds(row + found, _L)],
                                      iot + base, mask=hit)
                cntv = plsc.all_reduce_population_count(hit)
                return found + lax.squeeze(lax.slice(cntv, (0,), (1,)), (0,))

            found = plsc.parallel_loop(0, NCH, unroll=4,
                                       carry=jnp.int32(0))(chunk_body)

            firstv = plsc.load_gather(stage, [jnp.full((_L,), row, jnp.int32)])
            firstv = jnp.where(found > 0, firstv, 0)
            foundv = jnp.full((_L,), found)
            for half in range(_NSAMPLE // _L):
                pos = iot + half * _L
                cur = stage[pl.ds(row + half * _L, _L)]
                stage[pl.ds(row + half * _L, _L)] = jnp.where(pos < foundv,
                                                              cur, firstv)
            return carry

        lax.fori_loop(0, CPW, per_centroid, jnp.int32(0))

        for d in range(3):
            def per_cent_xyz(p, d=d):
                cb = plsc.load_gather(
                    cents, [jnp.full((_L,), d * CPW + p, jnp.int32)])
                pvec = jnp.full((_L,), p, jnp.int32)
                for half in range(_NSAMPLE // _L):
                    i = p * (_NSAMPLE // _L) + half
                    idxv = stage[pl.ds(i * _L, _L)]
                    g = plsc.load_gather(pts, [idxv + d * N])
                    plsc.store_scatter(ostage, [iot + half * _L, pvec],
                                       g - cb)

            plsc.parallel_loop(0, CPW, unroll=2)(per_cent_xyz)
            pltpu.sync_copy(
                ostage,
                out.at[pl.ds((out_row + d * _NSAMPLE), _NSAMPLE),
                       pl.ds(p_base, CPW)])

        iot16 = iot + _L

        def gather_into(par):
            ost = ostage if par == 0 else ostage1

            def per_p(p):
                pv = jnp.full((_L,), p, jnp.int32)
                for h in range(2):
                    idxv = stage[pl.ds((2 * p + h) * _L, _L)]
                    if par:
                        idxv = idxv + N
                    g = plsc.load_gather(frow, [idxv])
                    plsc.store_scatter(ost, [iot if h == 0 else iot16, pv], g)
            plsc.parallel_loop(0, CPW, unroll=4)(per_p)

        pltpu.async_copy(feat.at[pl.ds(feat_base, N)],
                         frow.at[pl.ds(0, N)], semi0)
        pltpu.async_copy(feat.at[pl.ds(feat_base + N, N)],
                         frow.at[pl.ds(N, N)], semi1)

        def per_pair(j, carry):
            for par in range(2):
                c = 2 * j + par
                semi = semi0 if par == 0 else semi1
                semo = semo0 if par == 0 else semo1
                pltpu.make_async_copy(feat.at[pl.ds(feat_base + c * N, N)],
                                      frow.at[pl.ds(par * N, N)], semi).wait()

                ost = ostage if par == 0 else ostage1

                @pl.when(j > 0)
                def _drain():
                    pltpu.make_async_copy(
                        ost,
                        out.at[pl.ds(out_row, _NSAMPLE), pl.ds(p_base, CPW)],
                        semo).wait()

                gather_into(par)
                pltpu.async_copy(
                    ost,
                    out.at[pl.ds(out_row + (3 + c) * _NSAMPLE, _NSAMPLE),
                           pl.ds(p_base, CPW)], semo)
                cc = jnp.minimum(c + 2, C - 1)
                pltpu.async_copy(feat.at[pl.ds(feat_base + cc * N, N)],
                                 frow.at[pl.ds(par * N, N)], semi)
            return carry

        lax.fori_loop(0, C // 2, per_pair, jnp.int32(0))

        pltpu.make_async_copy(feat.at[pl.ds(feat_base, N)],
                              frow.at[pl.ds(0, N)], semi0).wait()
        pltpu.make_async_copy(feat.at[pl.ds(feat_base, N)],
                              frow.at[pl.ds(N, N)], semi1).wait()
        pltpu.make_async_copy(ostage,
                              out.at[pl.ds(out_row, _NSAMPLE),
                                     pl.ds(p_base, CPW)], semo0).wait()
        pltpu.make_async_copy(ostage1,
                              out.at[pl.ds(out_row, _NSAMPLE),
                                     pl.ds(p_base, CPW)], semo1).wait()

    return sc_kernel


def kernel(xyz, new_xyz, features):
    B, N, _ = xyz.shape
    NP = new_xyz.shape[1]
    C = features.shape[1]
    xyzT = jnp.transpose(xyz, (0, 2, 1)).reshape(-1)
    nxT = jnp.transpose(new_xyz, (0, 2, 1)).reshape(-1)
    out = _build(B, N, NP, C)(xyzT, nxT, features.reshape(-1))
    out = out.reshape(B, C + 3, _NSAMPLE, NP)
    return jnp.transpose(out, (0, 1, 3, 2))

# --- scband reference (transcript-rebuilt; emitter-appended) ---
"""Pipeline reference for scband-query-and-group-47064251629654 (READ-ONLY COPY).

The authoritative reference and input builder live on the scoring server;
editing this copy changes nothing except your own understanding.
"""

import jax, jax.numpy as jnp
import numpy as np

RADIUS = 0.1
NSAMPLE = 32
USE_XYZ = True


def ball_query(xyz, new_xyz, radius, nsample):
    # xyz: (B, N, 3), new_xyz: (B, npoint, 3)
    # returns idx: (B, npoint, nsample) int32 -- first `nsample` point indices
    # within `radius` of each centroid; slots beyond the found count are
    # filled with the first found index (0 if no point is in the ball).
    N = xyz.shape[1]
    d2 = jnp.sum((new_xyz[:, :, None, :] - xyz[:, None, :, :]) ** 2, axis=-1)  # (B, npoint, N)
    ar = jnp.arange(N, dtype=jnp.int32)
    keys = jnp.where(d2 < radius * radius, ar[None, None, :], jnp.int32(N))  # invalid -> N
    sk = jnp.sort(keys, axis=-1)[..., :nsample]  # (B, npoint, nsample)
    first = sk[..., :1]
    idx = jnp.where(sk >= N, first, sk)
    idx = jnp.where(idx >= N, 0, idx)
    return idx.astype(jnp.int32)


def setup_inputs(seed: int = 0) -> dict:
    key = jax.random.key(seed)
    k1, k2, k3 = jax.random.split(key, 3)
    B, N, NP, C = 4, 8192, 2048, 128
    xyz = jax.random.uniform(k1, (B, N, 3), dtype=jnp.float32)
    new_xyz = jax.random.uniform(k2, (B, NP, 3), dtype=jnp.float32)
    features = jax.random.normal(k3, (B, C, N), dtype=jnp.float32)
    return {"xyz": xyz, "new_xyz": new_xyz, "features": features}


def reference(xyz, new_xyz, features):
    # xyz: (B, N, 3); new_xyz: (B, npoint, 3); features: (B, C, N)
    idx = ball_query(xyz, new_xyz, RADIUS, NSAMPLE)  # (B, npoint, nsample)
    # grouped_xyz: gather point coords -> (B, 3, npoint, nsample)
    grouped_xyz = jax.vmap(lambda p, i: p[i])(xyz, idx)  # (B, npoint, nsample, 3)
    grouped_xyz = jnp.transpose(grouped_xyz, (0, 3, 1, 2))  # (B, 3, npoint, nsample)
    grouped_xyz = grouped_xyz - jnp.transpose(new_xyz, (0, 2, 1))[..., None]
    # grouped_features: (B, C, npoint, nsample)
    grouped_features = jax.vmap(lambda f, i: f[:, i])(features, idx)
    if USE_XYZ:
        new_features = jnp.concatenate([grouped_xyz, grouped_features], axis=1)
    else:
        new_features = grouped_features
    return new_features

if __name__ == "__main__":
    import jax
    _d = setup_inputs()
    print(jax.jit(kernel)(*tuple(_d.values())))

</pallas_src>

<mosaic_0001>
#map = affine_map<(d0, d1) -> (0)>
#map1 = affine_map<(d0, d1) -> (0, 0)>
module attributes {stable_mosaic.version = 14 : i64} {
  func.func @sc_kernel(%arg0: i32, %arg1: i32, %arg2: memref<98304xf32, #tpu.memory_space<hbm>>, %arg3: memref<24576xf32, #tpu.memory_space<hbm>>, %arg4: memref<4194304xf32, #tpu.memory_space<hbm>>, %arg5: memref<16768x2048xf32, #tpu.memory_space<hbm>>, %arg6: memref<24576xf32, #tpu.memory_space<vmem>>, %arg7: memref<768xf32, #tpu.memory_space<vmem>>, %arg8: memref<16400xi32, #tpu.memory_space<vmem>>, %arg9: memref<16384xf32, #tpu.memory_space<vmem>>, %arg10: memref<32x256xf32, #tpu.memory_space<vmem>>, %arg11: memref<32x256xf32, #tpu.memory_space<vmem>>, %arg12: memref<!tpu.dma_semaphore, #tpu.memory_space<semaphore_mem>>, %arg13: memref<!tpu.dma_semaphore, #tpu.memory_space<semaphore_mem>>, %arg14: memref<!tpu.dma_semaphore, #tpu.memory_space<semaphore_mem>>, %arg15: memref<!tpu.dma_semaphore, #tpu.memory_space<semaphore_mem>>) attributes {dimension_semantics = [#tpu.dimension_semantics<core_parallel>, #tpu.dimension_semantics<subcore_parallel>], iteration_bounds = array<i64: 2, 16>, scalar_prefetch = 0 : i64, scratch_operands = 10 : i64, tpu.core_type = #tpu.core_type<sc_vector_subcore>, window_params = [{transform_indices = #map}, {transform_indices = #map}, {transform_indices = #map}, {transform_indices = #map1}]} {
    %mul3A = arith.constant 2 : i32
    %mul3A_0 = arith.muli %arg1, %mul3A : i32
    %add3A = arith.addi %mul3A_0, %arg0 : i32
    %jit3A = arith.constant 8 : i32
    %div3A = arith.divsi %add3A, %jit3A : i32
    %sign3A = arith.constant 0 : i32
    %sign3A_1 = arith.cmpi sgt, %add3A, %sign3A : i32
    %sign3A_2 = arith.extui %sign3A_1 : i1 to i32
    %sign3A_3 = arith.constant 0 : i32
    %sign3A_4 = arith.cmpi slt, %add3A, %sign3A_3 : i32
    %sign3A_5 = arith.extui %sign3A_4 : i1 to i32
    %sign3A_6 = arith.subi %sign3A_2, %sign3A_5 : i32
    %sign3A_7 = arith.constant 0 : i32
    %sign3A_8 = arith.cmpi sgt, %jit3A, %sign3A_7 : i32
    %sign3A_9 = arith.extui %sign3A_8 : i1 to i32
    %sign3A_10 = arith.constant 0 : i32
    %sign3A_11 = arith.cmpi slt, %jit3A, %sign3A_10 : i32
    %sign3A_12 = arith.extui %sign3A_11 : i1 to i32
    %sign3A_13 = arith.subi %sign3A_9, %sign3A_12 : i32
    %ne3A = arith.cmpi ne, %sign3A_6, %sign3A_13 : i32
    %rem3A = arith.remsi %add3A, %jit3A : i32
    %ne3A_14 = arith.constant 0 : i32
    %ne3A_15 = arith.cmpi ne, %rem3A, %ne3A_14 : i32
    %and3A = arith.andi %ne3A, %ne3A_15 : i1
    %sub3A = arith.constant 1 : i32
    %sub3A_16 = arith.subi %div3A, %sub3A : i32
    %select_n3A = arith.select %and3A, %sub3A_16, %div3A : i32
    %jit3A_17 = arith.constant 8 : i32
    %eq3A = arith.constant 0 : i32
    %eq3A_18 = arith.cmpi eq, %jit3A_17, %eq3A : i32
    %jit3A_19 = arith.constant 1 : i32
    %select_n3A_20 = arith.select %eq3A_18, %jit3A_19, %jit3A_17 : i32
    %rem3A_21 = arith.remsi %add3A, %select_n3A_20 : i32
    %ne3A_22 = arith.constant 0 : i32
    %ne3A_23 = arith.cmpi ne, %rem3A_21, %ne3A_22 : i32
    %lt3A = arith.constant 0 : i32
    %lt3A_24 = arith.cmpi slt, %rem3A_21, %lt3A : i32
    %lt3A_25 = arith.constant 0 : i32
    %lt3A_26 = arith.cmpi slt, %select_n3A_20, %lt3A_25 : i32
    %ne3A_27 = arith.xori %lt3A_24, %lt3A_26 : i1
    %and3A_28 = arith.andi %ne3A_27, %ne3A_23 : i1
    %add3A_29 = arith.addi %rem3A_21, %select_n3A_20 : i32
    %select_n3A_30 = arith.select %and3A_28, %add3A_29, %rem3A_21 : i32
    %mul3A_31 = arith.constant 256 : i32
    %mul3A_32 = arith.muli %select_n3A_30, %mul3A_31 : i32
    %mul3A_33 = arith.constant 3 : i32
    %mul3A_34 = arith.muli %select_n3A, %mul3A_33 : i32
    %mul3A_35 = arith.constant 8192 : i32
    %mul3A_36 = arith.muli %mul3A_34, %mul3A_35 : i32
    %mul3A_37 = arith.constant 3 : i32
    %mul3A_38 = arith.muli %select_n3A, %mul3A_37 : i32
    %mul3A_39 = arith.constant 2048 : i32
    %mul3A_40 = arith.muli %mul3A_38, %mul3A_39 : i32
    %add3A_41 = arith.addi %mul3A_40, %mul3A_32 : i32
    %mul3A_42 = arith.constant 128 : i32
    %mul3A_43 = arith.muli %select_n3A, %mul3A_42 : i32
    %mul3A_44 = arith.constant 8192 : i32
    %mul3A_45 = arith.muli %mul3A_43, %mul3A_44 : i32
    %mul3A_46 = arith.constant 131 : i32
    %mul3A_47 = arith.muli %select_n3A, %mul3A_46 : i32
    %mul3A_48 = arith.constant 32 : i32
    %mul3A_49 = arith.muli %mul3A_47, %mul3A_48 : i32
    %add3A_50 = arith.constant 0 : i32
    %add3A_51 = arith.addi %mul3A_36, %add3A_50 : i32
    "tpu.region"() ({
      %run_scoped3A = tpu.sem_alloc : memref<!tpu.dma_semaphore, #tpu.memory_space<semaphore_mem>>
      %dma_start3A_118 = arith.constant 0 : i32
      %dma_start3A_119 = tpu.memref_slice %arg6[%dma_start3A_118] : memref<24576xf32, #tpu.memory_space<vmem>> -> memref<8192xf32, #tpu.memory_space<vmem>>
      %dma_start3A_120 = tpu.memref_slice %arg2[%add3A_51] : memref<98304xf32, #tpu.memory_space<hbm>> -> memref<8192xf32, #tpu.memory_space<hbm>>
      %dma_start3A_121 = arith.constant 0 : i32
      %dma_start3A_122 = tpu.memref_slice %arg6[%dma_start3A_121] : memref<24576xf32, #tpu.memory_space<vmem>> -> memref<8192xf32, #tpu.memory_space<vmem>>
      %dma_start3A_123 = tpu.memref_slice %arg2[%add3A_51] : memref<98304xf32, #tpu.memory_space<hbm>> -> memref<8192xf32, #tpu.memory_space<hbm>>
      tpu.enqueue_dma source(%dma_start3A_123 : memref<8192xf32, #tpu.memory_space<hbm>>) target(%dma_start3A_122 : memref<8192xf32, #tpu.memory_space<vmem>>) target_semaphore(%run_scoped3A : memref<!tpu.dma_semaphore, #tpu.memory_space<semaphore_mem>>)
      %dma_wait3A_124 = arith.constant 0 : i32
      %dma_wait3A_125 = tpu.memref_slice %arg6[%dma_wait3A_124] : memref<24576xf32, #tpu.memory_space<vmem>> -> memref<8192xf32, #tpu.memory_space<vmem>>
      %dma_wait3A_126 = tpu.memref_slice %arg2[%add3A_51] : memref<98304xf32, #tpu.memory_space<hbm>> -> memref<8192xf32, #tpu.memory_space<hbm>>
      %dma_wait3A_127 = arith.constant 0 : i32
      %dma_wait3A_128 = tpu.memref_slice %arg6[%dma_wait3A_127] : memref<24576xf32, #tpu.memory_space<vmem>> -> memref<8192xf32, #tpu.memory_space<vmem>>
      %dma_wait3A_129 = tpu.memref_slice %arg2[%add3A_51] : memref<98304xf32, #tpu.memory_space<hbm>> -> memref<8192xf32, #tpu.memory_space<hbm>>
      tpu.wait_dma2 semaphore(%run_scoped3A : memref<!tpu.dma_semaphore, #tpu.memory_space<semaphore_mem>>) src(%dma_wait3A_129 : memref<8192xf32, #tpu.memory_space<hbm>>) dst(%dma_wait3A_128 : memref<8192xf32, #tpu.memory_space<vmem>>)
      tpu.yield
    }) : () -> ()
    %add3A_52 = arith.constant 0 : i32
    %add3A_53 = arith.addi %add3A_41, %add3A_52 : i32
    "tpu.region"() ({
      %run_scoped3A = tpu.sem_alloc : memref<!tpu.dma_semaphore, #tpu.memory_space<semaphore_mem>>
      %dma_start3A_118 = arith.constant 0 : i32
      %dma_start3A_119 = tpu.memref_slice %arg7[%dma_start3A_118] : memref<768xf32, #tpu.memory_space<vmem>> -> memref<256xf32, #tpu.memory_space<vmem>>
      %dma_start3A_120 = tpu.memref_slice %arg3[%add3A_53] : memref<24576xf32, #tpu.memory_space<hbm>> -> memref<256xf32, #tpu.memory_space<hbm>>
      %dma_start3A_121 = arith.constant 0 : i32
      %dma_start3A_122 = tpu.memref_slice %arg7[%dma_start3A_121] : memref<768xf32, #tpu.memory_space<vmem>> -> memref<256xf32, #tpu.memory_space<vmem>>
      %dma_start3A_123 = tpu.memref_slice %arg3[%add3A_53] : memref<24576xf32, #tpu.memory_space<hbm>> -> memref<256xf32, #tpu.memory_space<hbm>>
      tpu.enqueue_dma source(%dma_start3A_123 : memref<256xf32, #tpu.memory_space<hbm>>) target(%dma_start3A_122 : memref<256xf32, #tpu.memory_space<vmem>>) target_semaphore(%run_scoped3A : memref<!tpu.dma_semaphore, #tpu.memory_space<semaphore_mem>>)
      %dma_wait3A_124 = arith.constant 0 : i32
      %dma_wait3A_125 = tpu.memref_slice %arg7[%dma_wait3A_124] : memref<768xf32, #tpu.memory_space<vmem>> -> memref<256xf32, #tpu.memory_space<vmem>>
      %dma_wait3A_126 = tpu.memref_slice %arg3[%add3A_53] : memref<24576xf32, #tpu.memory_space<hbm>> -> memref<256xf32, #tpu.memory_space<hbm>>
      %dma_wait3A_127 = arith.constant 0 : i32
      %dma_wait3A_128 = tpu.memref_slice %arg7[%dma_wait3A_127] : memref<768xf32, #tpu.memory_space<vmem>> -> memref<256xf32, #tpu.memory_space<vmem>>
      %dma_wait3A_129 = tpu.memref_slice %arg3[%add3A_53] : memref<24576xf32, #tpu.memory_space<hbm>> -> memref<256xf32, #tpu.memory_space<hbm>>
      tpu.wait_dma2 semaphore(%run_scoped3A : memref<!tpu.dma_semaphore, #tpu.memory_space<semaphore_mem>>) src(%dma_wait3A_129 : memref<256xf32, #tpu.memory_space<hbm>>) dst(%dma_wait3A_128 : memref<256xf32, #tpu.memory_space<vmem>>)
      tpu.yield
    }) : () -> ()
    %add3A_54 = arith.constant 8192 : i32
    %add3A_55 = arith.addi %mul3A_36, %add3A_54 : i32
    "tpu.region"() ({
      %run_scoped3A = tpu.sem_alloc : memref<!tpu.dma_semaphore, #tpu.memory_space<semaphore_mem>>
      %dma_start3A_118 = arith.constant 8192 : i32
      %dma_start3A_119 = tpu.memref_slice %arg6[%dma_start3A_118] : memref<24576xf32, #tpu.memory_space<vmem>> -> memref<8192xf32, #tpu.memory_space<vmem>>
      %dma_start3A_120 = tpu.memref_slice %arg2[%add3A_55] : memref<98304xf32, #tpu.memory_space<hbm>> -> memref<8192xf32, #tpu.memory_space<hbm>>
      %dma_start3A_121 = arith.constant 8192 : i32
      %dma_start3A_122 = tpu.memref_slice %arg6[%dma_start3A_121] : memref<24576xf32, #tpu.memory_space<vmem>> -> memref<8192xf32, #tpu.memory_space<vmem>>
      %dma_start3A_123 = tpu.memref_slice %arg2[%add3A_55] : memref<98304xf32, #tpu.memory_space<hbm>> -> memref<8192xf32, #tpu.memory_space<hbm>>
      tpu.enqueue_dma source(%dma_start3A_123 : memref<8192xf32, #tpu.memory_space<hbm>>) target(%dma_start3A_122 : memref<8192xf32, #tpu.memory_space<vmem>>) target_semaphore(%run_scoped3A : memref<!tpu.dma_semaphore, #tpu.memory_space<semaphore_mem>>)
      %dma_wait3A_124 = arith.constant 8192 : i32
      %dma_wait3A_125 = tpu.memref_slice %arg6[%dma_wait3A_124] : memref<24576xf32, #tpu.memory_space<vmem>> -> memref<8192xf32, #tpu.memory_space<vmem>>
      %dma_wait3A_126 = tpu.memref_slice %arg2[%add3A_55] : memref<98304xf32, #tpu.memory_space<hbm>> -> memref<8192xf32, #tpu.memory_space<hbm>>
      %dma_wait3A_127 = arith.constant 8192 : i32
      %dma_wait3A_128 = tpu.memref_slice %arg6[%dma_wait3A_127] : memref<24576xf32, #tpu.memory_space<vmem>> -> memref<8192xf32, #tpu.memory_space<vmem>>
      %dma_wait3A_129 = tpu.memref_slice %arg2[%add3A_55] : memref<98304xf32, #tpu.memory_space<hbm>> -> memref<8192xf32, #tpu.memory_space<hbm>>
      tpu.wait_dma2 semaphore(%run_scoped3A : memref<!tpu.dma_semaphore, #tpu.memory_space<semaphore_mem>>) src(%dma_wait3A_129 : memref<8192xf32, #tpu.memory_space<hbm>>) dst(%dma_wait3A_128 : memref<8192xf32, #tpu.memory_space<vmem>>)
      tpu.yield
    }) : () -> ()
    %add3A_56 = arith.constant 2048 : i32
    %add3A_57 = arith.addi %add3A_41, %add3A_56 : i32
    "tpu.region"() ({
      %run_scoped3A = tpu.sem_alloc : memref<!tpu.dma_semaphore, #tpu.memory_space<semaphore_mem>>
      %dma_start3A_118 = arith.constant 256 : i32
      %dma_start3A_119 = tpu.memref_slice %arg7[%dma_start3A_118] : memref<768xf32, #tpu.memory_space<vmem>> -> memref<256xf32, #tpu.memory_space<vmem>>
      %dma_start3A_120 = tpu.memref_slice %arg3[%add3A_57] : memref<24576xf32, #tpu.memory_space<hbm>> -> memref<256xf32, #tpu.memory_space<hbm>>
      %dma_start3A_121 = arith.constant 256 : i32
      %dma_start3A_122 = tpu.memref_slice %arg7[%dma_start3A_121] : memref<768xf32, #tpu.memory_space<vmem>> -> memref<256xf32, #tpu.memory_space<vmem>>
      %dma_start3A_123 = tpu.memref_slice %arg3[%add3A_57] : memref<24576xf32, #tpu.memory_space<hbm>> -> memref<256xf32, #tpu.memory_space<hbm>>
      tpu.enqueue_dma source(%dma_start3A_123 : memref<256xf32, #tpu.memory_space<hbm>>) target(%dma_start3A_122 : memref<256xf32, #tpu.memory_space<vmem>>) target_semaphore(%run_scoped3A : memref<!tpu.dma_semaphore, #tpu.memory_space<semaphore_mem>>)
      %dma_wait3A_124 = arith.constant 256 : i32
      %dma_wait3A_125 = tpu.memref_slice %arg7[%dma_wait3A_124] : memref<768xf32, #tpu.memory_space<vmem>> -> memref<256xf32, #tpu.memory_space<vmem>>
      %dma_wait3A_126 = tpu.memref_slice %arg3[%add3A_57] : memref<24576xf32, #tpu.memory_space<hbm>> -> memref<256xf32, #tpu.memory_space<hbm>>
      %dma_wait3A_127 = arith.constant 256 : i32
      %dma_wait3A_128 = tpu.memref_slice %arg7[%dma_wait3A_127] : memref<768xf32, #tpu.memory_space<vmem>> -> memref<256xf32, #tpu.memory_space<vmem>>
      %dma_wait3A_129 = tpu.memref_slice %arg3[%add3A_57] : memref<24576xf32, #tpu.memory_space<hbm>> -> memref<256xf32, #tpu.memory_space<hbm>>
      tpu.wait_dma2 semaphore(%run_scoped3A : memref<!tpu.dma_semaphore, #tpu.memory_space<semaphore_mem>>) src(%dma_wait3A_129 : memref<256xf32, #tpu.memory_space<hbm>>) dst(%dma_wait3A_128 : memref<256xf32, #tpu.memory_space<vmem>>)
      tpu.yield
    }) : () -> ()
    %add3A_58 = arith.constant 16384 : i32
    %add3A_59 = arith.addi %mul3A_36, %add3A_58 : i32
    "tpu.region"() ({
      %run_scoped3A = tpu.sem_alloc : memref<!tpu.dma_semaphore, #tpu.memory_space<semaphore_mem>>
      %dma_start3A_118 = arith.constant 16384 : i32
      %dma_start3A_119 = tpu.memref_slice %arg6[%dma_start3A_118] : memref<24576xf32, #tpu.memory_space<vmem>> -> memref<8192xf32, #tpu.memory_space<vmem>>
      %dma_start3A_120 = tpu.memref_slice %arg2[%add3A_59] : memref<98304xf32, #tpu.memory_space<hbm>> -> memref<8192xf32, #tpu.memory_space<hbm>>
      %dma_start3A_121 = arith.constant 16384 : i32
      %dma_start3A_122 = tpu.memref_slice %arg6[%dma_start3A_121] : memref<24576xf32, #tpu.memory_space<vmem>> -> memref<8192xf32, #tpu.memory_space<vmem>>
      %dma_start3A_123 = tpu.memref_slice %arg2[%add3A_59] : memref<98304xf32, #tpu.memory_space<hbm>> -> memref<8192xf32, #tpu.memory_space<hbm>>
      tpu.enqueue_dma source(%dma_start3A_123 : memref<8192xf32, #tpu.memory_space<hbm>>) target(%dma_start3A_122 : memref<8192xf32, #tpu.memory_space<vmem>>) target_semaphore(%run_scoped3A : memref<!tpu.dma_semaphore, #tpu.memory_space<semaphore_mem>>)
      %dma_wait3A_124 = arith.constant 16384 : i32
      %dma_wait3A_125 = tpu.memref_slice %arg6[%dma_wait3A_124] : memref<24576xf32, #tpu.memory_space<vmem>> -> memref<8192xf32, #tpu.memory_space<vmem>>
      %dma_wait3A_126 = tpu.memref_slice %arg2[%add3A_59] : memref<98304xf32, #tpu.memory_space<hbm>> -> memref<8192xf32, #tpu.memory_space<hbm>>
      %dma_wait3A_127 = arith.constant 16384 : i32
      %dma_wait3A_128 = tpu.memref_slice %arg6[%dma_wait3A_127] : memref<24576xf32, #tpu.memory_space<vmem>> -> memref<8192xf32, #tpu.memory_space<vmem>>
      %dma_wait3A_129 = tpu.memref_slice %arg2[%add3A_59] : memref<98304xf32, #tpu.memory_space<hbm>> -> memref<8192xf32, #tpu.memory_space<hbm>>
      tpu.wait_dma2 semaphore(%run_scoped3A : memref<!tpu.dma_semaphore, #tpu.memory_space<semaphore_mem>>) src(%dma_wait3A_129 : memref<8192xf32, #tpu.memory_space<hbm>>) dst(%dma_wait3A_128 : memref<8192xf32, #tpu.memory_space<vmem>>)
      tpu.yield
    }) : () -> ()
    %add3A_60 = arith.constant 4096 : i32
    %add3A_61 = arith.addi %add3A_41, %add3A_60 : i32
    "tpu.region"() ({
      %run_scoped3A = tpu.sem_alloc : memref<!tpu.dma_semaphore, #tpu.memory_space<semaphore_mem>>
      %dma_start3A_118 = arith.constant 512 : i32
      %dma_start3A_119 = tpu.memref_slice %arg7[%dma_start3A_118] : memref<768xf32, #tpu.memory_space<vmem>> -> memref<256xf32, #tpu.memory_space<vmem>>
      %dma_start3A_120 = tpu.memref_slice %arg3[%add3A_61] : memref<24576xf32, #tpu.memory_space<hbm>> -> memref<256xf32, #tpu.memory_space<hbm>>
      %dma_start3A_121 = arith.constant 512 : i32
      %dma_start3A_122 = tpu.memref_slice %arg7[%dma_start3A_121] : memref<768xf32, #tpu.memory_space<vmem>> -> memref<256xf32, #tpu.memory_space<vmem>>
      %dma_start3A_123 = tpu.memref_slice %arg3[%add3A_61] : memref<24576xf32, #tpu.memory_space<hbm>> -> memref<256xf32, #tpu.memory_space<hbm>>
      tpu.enqueue_dma source(%dma_start3A_123 : memref<256xf32, #tpu.memory_space<hbm>>) target(%dma_start3A_122 : memref<256xf32, #tpu.memory_space<vmem>>) target_semaphore(%run_scoped3A : memref<!tpu.dma_semaphore, #tpu.memory_space<semaphore_mem>>)
      %dma_wait3A_124 = arith.constant 512 : i32
      %dma_wait3A_125 = tpu.memref_slice %arg7[%dma_wait3A_124] : memref<768xf32, #tpu.memory_space<vmem>> -> memref<256xf32, #tpu.memory_space<vmem>>
      %dma_wait3A_126 = tpu.memref_slice %arg3[%add3A_61] : memref<24576xf32, #tpu.memory_space<hbm>> -> memref<256xf32, #tpu.memory_space<hbm>>
      %dma_wait3A_127 = arith.constant 512 : i32
      %dma_wait3A_128 = tpu.memref_slice %arg7[%dma_wait3A_127] : memref<768xf32, #tpu.memory_space<vmem>> -> memref<256xf32, #tpu.memory_space<vmem>>
      %dma_wait3A_129 = tpu.memref_slice %arg3[%add3A_61] : memref<24576xf32, #tpu.memory_space<hbm>> -> memref<256xf32, #tpu.memory_space<hbm>>
      tpu.wait_dma2 semaphore(%run_scoped3A : memref<!tpu.dma_semaphore, #tpu.memory_space<semaphore_mem>>) src(%dma_wait3A_129 : memref<256xf32, #tpu.memory_space<hbm>>) dst(%dma_wait3A_128 : memref<256xf32, #tpu.memory_space<vmem>>)
      tpu.yield
    }) : () -> ()
    %iota3A = tpu.iota {dimensions = array<i32: 0>} : vector<16xi32>
    %scan3A = arith.constant 0 : i32
    %scan3A_62 = arith.constant 0 : i32
    %scan3A_63 = arith.constant 256 : i32
    %scan3A_64 = arith.addi %scan3A_62, %scan3A_63 : i32
    %scan3A_65 = arith.constant 1 : i32
    scf.for %scan3A_118 = %scan3A_62 to %scan3A_64 step %scan3A_65  : i32 {
      %broadcast_in_dim3A = vector.broadcast %scan3A_118 : i32 to vector<16xi32>
      %gather3A = tpu.vector_load_idx %arg7[%broadcast_in_dim3A] : memref<768xf32, #tpu.memory_space<vmem>>[vector<16xi32>], vector<16xf32>,
      %add3A_119 = arith.constant 256 : i32
      %add3A_120 = vector.broadcast %add3A_119 : i32 to vector<16xi32>
      %add3A_121 = arith.addi %broadcast_in_dim3A, %add3A_120 : vector<16xi32>
      %gather3A_122 = tpu.vector_load_idx %arg7[%add3A_121] : memref<768xf32, #tpu.memory_space<vmem>>[vector<16xi32>], vector<16xf32>,
      %add3A_123 = arith.constant 512 : i32
      %add3A_124 = vector.broadcast %add3A_123 : i32 to vector<16xi32>
      %add3A_125 = arith.addi %broadcast_in_dim3A, %add3A_124 : vector<16xi32>
      %gather3A_126 = tpu.vector_load_idx %arg7[%add3A_125] : memref<768xf32, #tpu.memory_space<vmem>>[vector<16xi32>], vector<16xf32>,
      %mul3A_127 = arith.constant 32 : i32
      %mul3A_128 = arith.muli %scan3A_118, %mul3A_127 : i32
      %parallel_loop3A_129 = arith.constant 0 : i32
      %parallel_loop3A_130 = arith.constant 512 : i32
      %parallel_loop3A_131 = arith.constant 1 : i32
      %parallel_loop3A_132 = arith.constant 0 : i32
      %parallel_loop3A_133 = scf.for %parallel_loop3A_165 = %parallel_loop3A_129 to %parallel_loop3A_130 step %parallel_loop3A_131 iter_args(%parallel_loop3A_166 = %parallel_loop3A_132) -> (i32)  : i32 {
        %parallel_loop3A_167 = arith.constant 16 : i32
        %parallel_loop3A_168 = arith.muli %parallel_loop3A_165, %parallel_loop3A_167 : i32
        %parallel_loop3A_169 = arith.index_cast %parallel_loop3A_168 : i32 to index
        %parallel_loop3A_170 = tpu.vector_load %arg6[%parallel_loop3A_169] {strides = array<i32>} : memref<24576xf32, #tpu.memory_space<vmem>>, vector<16xf32>,
        %parallel_loop3A_171 = arith.constant 8192 : i32
        %parallel_loop3A_172 = arith.addi %parallel_loop3A_171, %parallel_loop3A_168 : i32
        %parallel_loop3A_173 = arith.index_cast %parallel_loop3A_172 : i32 to index
        %parallel_loop3A_174 = tpu.vector_load %arg6[%parallel_loop3A_173] {strides = array<i32>} : memref<24576xf32, #tpu.memory_space<vmem>>, vector<16xf32>,
        %parallel_loop3A_175 = arith.constant 16384 : i32
        %parallel_loop3A_176 = arith.addi %parallel_loop3A_175, %parallel_loop3A_168 : i32
        %parallel_loop3A_177 = arith.index_cast %parallel_loop3A_176 : i32 to index
        %parallel_loop3A_178 = tpu.vector_load %arg6[%parallel_loop3A_177] {strides = array<i32>} : memref<24576xf32, #tpu.memory_space<vmem>>, vector<16xf32>,
        %parallel_loop3A_179 = arith.subf %gather3A, %parallel_loop3A_170 : vector<16xf32>
        %parallel_loop3A_180 = arith.subf %gather3A_122, %parallel_loop3A_174 : vector<16xf32>
        %parallel_loop3A_181 = arith.subf %gather3A_126, %parallel_loop3A_178 : vector<16xf32>
        %parallel_loop3A_182 = arith.mulf %parallel_loop3A_179, %parallel_loop3A_179 : vector<16xf32>
        %parallel_loop3A_183 = arith.mulf %parallel_loop3A_180, %parallel_loop3A_180 : vector<16xf32>
        %parallel_loop3A_184 = arith.addf %parallel_loop3A_182, %parallel_loop3A_183 : vector<16xf32>
        %parallel_loop3A_185 = arith.mulf %parallel_loop3A_181, %parallel_loop3A_181 : vector<16xf32>
        %parallel_loop3A_186 = arith.addf %parallel_loop3A_184, %parallel_loop3A_185 : vector<16xf32>
        %parallel_loop3A_187 = arith.constant 0.00999999977 : f32
        %parallel_loop3A_188 = vector.broadcast %parallel_loop3A_187 : f32 to vector<16xf32>
        %parallel_loop3A_189 = arith.cmpf olt, %parallel_loop3A_186, %parallel_loop3A_188 : vector<16xf32>
        %parallel_loop3A_190 = arith.addi %mul3A_128, %parallel_loop3A_166 : i32
        %parallel_loop3A_191 = vector.broadcast %parallel_loop3A_168 : i32 to vector<16xi32>
        %parallel_loop3A_192 = arith.addi %iota3A, %parallel_loop3A_191 : vector<16xi32>
        %parallel_loop3A_193 = arith.index_cast %parallel_loop3A_190 : i32 to index
        %parallel_loop3A_194 = tpu.vector_load %arg8[%parallel_loop3A_193] masked %parallel_loop3A_189 {strides = array<i32>} : memref<16400xi32, #tpu.memory_space<vmem>>, vector<16xi32>, vector<16xi1>
        tpu.vector_store %arg8[%parallel_loop3A_193], %parallel_loop3A_192 masked %parallel_loop3A_189 {strides = array<i32>} : memref<16400xi32, #tpu.memory_space<vmem>>, vector<16xi32>, vector<16xi1>
        %parallel_loop3A_195 = tpu.all_reduce %parallel_loop3A_189 {dim = 0 : i64, kind = #tpu.reduction_kind<sum>} : vector<16xi1> -> vector<16xi32>
        %parallel_loop3A_196 = vector.extract_strided_slice %parallel_loop3A_195 {offsets = [0], sizes = [1], strides = [1]} : vector<16xi32> to vector<1xi32>
        %parallel_loop3A_197 = vector.extract %parallel_loop3A_196[0] : i32 from vector<1xi32>
        %parallel_loop3A_198 = arith.addi %parallel_loop3A_166, %parallel_loop3A_197 : i32
        scf.yield %parallel_loop3A_198 : i32
      } {sc.loop_unroll_factor = 4 : i64, sc.parallel_access}
      %broadcast_in_dim3A_134 = vector.broadcast %mul3A_128 : i32 to vector<16xi32>
      %gather3A_135 = tpu.vector_load_idx %arg8[%broadcast_in_dim3A_134] : memref<16400xi32, #tpu.memory_space<vmem>>[vector<16xi32>], vector<16xi32>,
      %gt3A = arith.constant 0 : i32
      %gt3A_136 = arith.cmpi sgt, %parallel_loop3A_133, %gt3A : i32
      %jit3A_137 = arith.constant 0 : i32
      %broadcast_in_dim3A_138 = vector.broadcast %jit3A_137 : i32 to vector<16xi32>
      %select_n3A_139 = arith.select %gt3A_136, %gather3A_135, %broadcast_in_dim3A_138 : vector<16xi32>
      %broadcast_in_dim3A_140 = vector.broadcast %parallel_loop3A_133 : i32 to vector<16xi32>
      %add3A_141 = arith.constant 0 : i32
      %add3A_142 = vector.broadcast %add3A_141 : i32 to vector<16xi32>
      %add3A_143 = arith.addi %iota3A, %add3A_142 : vector<16xi32>
      %add3A_144 = arith.constant 0 : i32
      %add3A_145 = arith.addi %mul3A_128, %add3A_144 : i32
      %get3A = arith.index_cast %add3A_145 : i32 to index
      %get3A_146 = tpu.vector_load %arg8[%get3A] {strides = array<i32>} : memref<16400xi32, #tpu.memory_space<vmem>>, vector<16xi32>,
      %lt3A_147 = arith.cmpi slt, %add3A_143, %broadcast_in_dim3A_140 : vector<16xi32>
      %select_n3A_148 = arith.select %lt3A_147, %get3A_146, %select_n3A_139 : vector<16xi1>, vector<16xi32>
      %add3A_149 = arith.constant 0 : i32
      %add3A_150 = arith.addi %mul3A_128, %add3A_149 : i32
      %swap3A = arith.index_cast %add3A_150 : i32 to index
      %swap3A_151 = tpu.vector_load %arg8[%swap3A] {strides = array<i32>} : memref<16400xi32, #tpu.memory_space<vmem>>, vector<16xi32>,
      tpu.vector_store %arg8[%swap3A], %select_n3A_148 {strides = array<i32>} : memref<16400xi32, #tpu.memory_space<vmem>>, vector<16xi32>,
      %add3A_152 = arith.constant 16 : i32
      %add3A_153 = vector.broadcast %add3A_152 : i32 to vector<16xi32>
      %add3A_154 = arith.addi %iota3A, %add3A_153 : vector<16xi32>
      %add3A_155 = arith.constant 16 : i32
      %add3A_156 = arith.addi %mul3A_128, %add3A_155 : i32
      %get3A_157 = arith.index_cast %add3A_156 : i32 to index
      %get3A_158 = tpu.vector_load %arg8[%get3A_157] {strides = array<i32>} : memref<16400xi32, #tpu.memory_space<vmem>>, vector<16xi32>,
      %lt3A_159 = arith.cmpi slt, %add3A_154, %broadcast_in_dim3A_140 : vector<16xi32>
      %select_n3A_160 = arith.select %lt3A_159, %get3A_158, %select_n3A_139 : vector<16xi1>, vector<16xi32>
      %add3A_161 = arith.constant 16 : i32
      %add3A_162 = arith.addi %mul3A_128, %add3A_161 : i32
      %swap3A_163 = arith.index_cast %add3A_162 : i32 to index
      %swap3A_164 = tpu.vector_load %arg8[%swap3A_163] {strides = array<i32>} : memref<16400xi32, #tpu.memory_space<vmem>>, vector<16xi32>,
      tpu.vector_store %arg8[%swap3A_163], %select_n3A_160 {strides = array<i32>} : memref<16400xi32, #tpu.memory_space<vmem>>, vector<16xi32>,
    }
    %scan3A_66 = arith.constant 256 : i32
    %parallel_loop3A = arith.constant 0 : i32
    %parallel_loop3A_67 = arith.constant 256 : i32
    %parallel_loop3A_68 = arith.constant 1 : i32
    scf.for %parallel_loop3A_118 = %parallel_loop3A to %parallel_loop3A_67 step %parallel_loop3A_68  : i32 {
      %parallel_loop3A_119 = arith.constant 0 : i32
      %parallel_loop3A_120 = arith.addi %parallel_loop3A_119, %parallel_loop3A_118 : i32
      %parallel_loop3A_121 = vector.broadcast %parallel_loop3A_120 : i32 to vector<16xi32>
      %parallel_loop3A_122 = tpu.vector_load_idx %arg7[%parallel_loop3A_121] : memref<768xf32, #tpu.memory_space<vmem>>[vector<16xi32>], vector<16xf32>,
      %parallel_loop3A_123 = vector.broadcast %parallel_loop3A_118 : i32 to vector<16xi32>
      %parallel_loop3A_124 = arith.constant 2 : i32
      %parallel_loop3A_125 = arith.muli %parallel_loop3A_118, %parallel_loop3A_124 : i32
      %parallel_loop3A_126 = arith.constant 0 : i32
      %parallel_loop3A_127 = arith.addi %parallel_loop3A_125, %parallel_loop3A_126 : i32
      %parallel_loop3A_128 = arith.constant 16 : i32
      %parallel_loop3A_129 = arith.muli %parallel_loop3A_127, %parallel_loop3A_128 : i32
      %parallel_loop3A_130 = arith.index_cast %parallel_loop3A_129 : i32 to index
      %parallel_loop3A_131 = tpu.vector_load %arg8[%parallel_loop3A_130] {strides = array<i32>} : memref<16400xi32, #tpu.memory_space<vmem>>, vector<16xi32>,
      %parallel_loop3A_132 = arith.constant 0 : i32
      %parallel_loop3A_133 = vector.broadcast %parallel_loop3A_132 : i32 to vector<16xi32>
      %parallel_loop3A_134 = arith.addi %parallel_loop3A_131, %parallel_loop3A_133 : vector<16xi32>
      %parallel_loop3A_135 = tpu.vector_load_idx %arg6[%parallel_loop3A_134] : memref<24576xf32, #tpu.memory_space<vmem>>[vector<16xi32>], vector<16xf32>,
      %parallel_loop3A_136 = arith.constant 0 : i32
      %parallel_loop3A_137 = vector.broadcast %parallel_loop3A_136 : i32 to vector<16xi32>
      %parallel_loop3A_138 = arith.addi %iota3A, %parallel_loop3A_137 : vector<16xi32>
      %parallel_loop3A_139 = arith.subf %parallel_loop3A_135, %parallel_loop3A_122 : vector<16xf32>
      tpu.vector_store_idx %arg10[%parallel_loop3A_138, %parallel_loop3A_123], %parallel_loop3A_139 : memref<32x256xf32, #tpu.memory_space<vmem>>[vector<16xi32>, vector<16xi32>], vector<16xf32>,
      %parallel_loop3A_140 = arith.constant 2 : i32
      %parallel_loop3A_141 = arith.muli %parallel_loop3A_118, %parallel_loop3A_140 : i32
      %parallel_loop3A_142 = arith.constant 1 : i32
      %parallel_loop3A_143 = arith.addi %parallel_loop3A_141, %parallel_loop3A_142 : i32
      %parallel_loop3A_144 = arith.constant 16 : i32
      %parallel_loop3A_145 = arith.muli %parallel_loop3A_143, %parallel_loop3A_144 : i32
      %parallel_loop3A_146 = arith.index_cast %parallel_loop3A_145 : i32 to index
      %parallel_loop3A_147 = tpu.vector_load %arg8[%parallel_loop3A_146] {strides = array<i32>} : memref<16400xi32, #tpu.memory_space<vmem>>, vector<16xi32>,
      %parallel_loop3A_148 = arith.constant 0 : i32
      %parallel_loop3A_149 = vector.broadcast %parallel_loop3A_148 : i32 to vector<16xi32>
      %parallel_loop3A_150 = arith.addi %parallel_loop3A_147, %parallel_loop3A_149 : vector<16xi32>
      %parallel_loop3A_151 = tpu.vector_load_idx %arg6[%parallel_loop3A_150] : memref<24576xf32, #tpu.memory_space<vmem>>[vector<16xi32>], vector<16xf32>,
      %parallel_loop3A_152 = arith.constant 16 : i32
      %parallel_loop3A_153 = vector.broadcast %parallel_loop3A_152 : i32 to vector<16xi32>
      %parallel_loop3A_154 = arith.addi %iota3A, %parallel_loop3A_153 : vector<16xi32>
      %parallel_loop3A_155 = arith.subf %parallel_loop3A_151, %parallel_loop3A_122 : vector<16xf32>
      tpu.vector_store_idx %arg10[%parallel_loop3A_154, %parallel_loop3A_123], %parallel_loop3A_155 : memref<32x256xf32, #tpu.memory_space<vmem>>[vector<16xi32>, vector<16xi32>], vector<16xf32>,
    } {sc.loop_unroll_factor = 2 : i64, sc.parallel_access}
    %add3A_69 = arith.constant 0 : i32
    %add3A_70 = arith.addi %mul3A_49, %add3A_69 : i32
    "tpu.region"() ({
      %run_scoped3A = tpu.sem_alloc : memref<!tpu.dma_semaphore, #tpu.memory_space<semaphore_mem>>
      %dma_start3A_118 = tpu.memref_slice %arg5[%add3A_70, %mul3A_32] : memref<16768x2048xf32, #tpu.memory_space<hbm>> -> memref<32x256xf32, #tpu.memory_space<hbm>>
      %dma_start3A_119 = tpu.memref_slice %arg5[%add3A_70, %mul3A_32] : memref<16768x2048xf32, #tpu.memory_space<hbm>> -> memref<32x256xf32, #tpu.memory_space<hbm>>
      tpu.enqueue_dma source(%arg10 : memref<32x256xf32, #tpu.memory_space<vmem>>) target(%dma_start3A_119 : memref<32x256xf32, #tpu.memory_space<hbm>>) target_semaphore(%run_scoped3A : memref<!tpu.dma_semaphore, #tpu.memory_space<semaphore_mem>>)
      %dma_wait3A_120 = tpu.memref_slice %arg5[%add3A_70, %mul3A_32] : memref<16768x2048xf32, #tpu.memory_space<hbm>> -> memref<32x256xf32, #tpu.memory_space<hbm>>
      %dma_wait3A_121 = tpu.memref_slice %arg5[%add3A_70, %mul3A_32] : memref<16768x2048xf32, #tpu.memory_space<hbm>> -> memref<32x256xf32, #tpu.memory_space<hbm>>
      tpu.wait_dma2 semaphore(%run_scoped3A : memref<!tpu.dma_semaphore, #tpu.memory_space<semaphore_mem>>) src(%arg10 : memref<32x256xf32, #tpu.memory_space<vmem>>) dst(%dma_wait3A_121 : memref<32x256xf32, #tpu.memory_space<hbm>>)
      tpu.yield
    }) : () -> ()
    %parallel_loop3A_71 = arith.constant 0 : i32
    %parallel_loop3A_72 = arith.constant 256 : i32
    %parallel_loop3A_73 = arith.constant 1 : i32
    scf.for %parallel_loop3A_118 = %parallel_loop3A_71 to %parallel_loop3A_72 step %parallel_loop3A_73  : i32 {
      %parallel_loop3A_119 = arith.constant 256 : i32
      %parallel_loop3A_120 = arith.addi %parallel_loop3A_119, %parallel_loop3A_118 : i32
      %parallel_loop3A_121 = vector.broadcast %parallel_loop3A_120 : i32 to vector<16xi32>
      %parallel_loop3A_122 = tpu.vector_load_idx %arg7[%parallel_loop3A_121] : memref<768xf32, #tpu.memory_space<vmem>>[vector<16xi32>], vector<16xf32>,
      %parallel_loop3A_123 = vector.broadcast %parallel_loop3A_118 : i32 to vector<16xi32>
      %parallel_loop3A_124 = arith.constant 2 : i32
      %parallel_loop3A_125 = arith.muli %parallel_loop3A_118, %parallel_loop3A_124 : i32
      %parallel_loop3A_126 = arith.constant 0 : i32
      %parallel_loop3A_127 = arith.addi %parallel_loop3A_125, %parallel_loop3A_126 : i32
      %parallel_loop3A_128 = arith.constant 16 : i32
      %parallel_loop3A_129 = arith.muli %parallel_loop3A_127, %parallel_loop3A_128 : i32
      %parallel_loop3A_130 = arith.index_cast %parallel_loop3A_129 : i32 to index
      %parallel_loop3A_131 = tpu.vector_load %arg8[%parallel_loop3A_130] {strides = array<i32>} : memref<16400xi32, #tpu.memory_space<vmem>>, vector<16xi32>,
      %parallel_loop3A_132 = arith.constant 8192 : i32
      %parallel_loop3A_133 = vector.broadcast %parallel_loop3A_132 : i32 to vector<16xi32>
      %parallel_loop3A_134 = arith.addi %parallel_loop3A_131, %parallel_loop3A_133 : vector<16xi32>
      %parallel_loop3A_135 = tpu.vector_load_idx %arg6[%parallel_loop3A_134] : memref<24576xf32, #tpu.memory_space<vmem>>[vector<16xi32>], vector<16xf32>,
      %parallel_loop3A_136 = arith.constant 0 : i32
      %parallel_loop3A_137 = vector.broadcast %parallel_loop3A_136 : i32 to vector<16xi32>
      %parallel_loop3A_138 = arith.addi %iota3A, %parallel_loop3A_137 : vector<16xi32>
      %parallel_loop3A_139 = arith.subf %parallel_loop3A_135, %parallel_loop3A_122 : vector<16xf32>
      tpu.vector_store_idx %arg10[%parallel_loop3A_138, %parallel_loop3A_123], %parallel_loop3A_139 : memref<32x256xf32, #tpu.memory_space<vmem>>[vector<16xi32>, vector<16xi32>], vector<16xf32>,
      %parallel_loop3A_140 = arith.constant 2 : i32
      %parallel_loop3A_141 = arith.muli %parallel_loop3A_118, %parallel_loop3A_140 : i32
      %parallel_loop3A_142 = arith.constant 1 : i32
      %parallel_loop3A_143 = arith.addi %parallel_loop3A_141, %parallel_loop3A_142 : i32
      %parallel_loop3A_144 = arith.constant 16 : i32
      %parallel_loop3A_145 = arith.muli %parallel_loop3A_143, %parallel_loop3A_144 : i32
      %parallel_loop3A_146 = arith.index_cast %parallel_loop3A_145 : i32 to index
      %parallel_loop3A_147 = tpu.vector_load %arg8[%parallel_loop3A_146] {strides = array<i32>} : memref<16400xi32, #tpu.memory_space<vmem>>, vector<16xi32>,
      %parallel_loop3A_148 = arith.constant 8192 : i32
      %parallel_loop3A_149 = vector.broadcast %parallel_loop3A_148 : i32 to vector<16xi32>
      %parallel_loop3A_150 = arith.addi %parallel_loop3A_147, %parallel_loop3A_149 : vector<16xi32>
      %parallel_loop3A_151 = tpu.vector_load_idx %arg6[%parallel_loop3A_150] : memref<24576xf32, #tpu.memory_space<vmem>>[vector<16xi32>], vector<16xf32>,
      %parallel_loop3A_152 = arith.constant 16 : i32
      %parallel_loop3A_153 = vector.broadcast %parallel_loop3A_152 : i32 to vector<16xi32>
      %parallel_loop3A_154 = arith.addi %iota3A, %parallel_loop3A_153 : vector<16xi32>
      %parallel_loop3A_155 = arith.subf %parallel_loop3A_151, %parallel_loop3A_122 : vector<16xf32>
      tpu.vector_store_idx %arg10[%parallel_loop3A_154, %parallel_loop3A_123], %parallel_loop3A_155 : memref<32x256xf32, #tpu.memory_space<vmem>>[vector<16xi32>, vector<16xi32>], vector<16xf32>,
    } {sc.loop_unroll_factor = 2 : i64, sc.parallel_access}
    %add3A_74 = arith.constant 32 : i32
    %add3A_75 = arith.addi %mul3A_49, %add3A_74 : i32
    "tpu.region"() ({
      %run_scoped3A = tpu.sem_alloc : memref<!tpu.dma_semaphore, #tpu.memory_space<semaphore_mem>>
      %dma_start3A_118 = tpu.memref_slice %arg5[%add3A_75, %mul3A_32] : memref<16768x2048xf32, #tpu.memory_space<hbm>> -> memref<32x256xf32, #tpu.memory_space<hbm>>
      %dma_start3A_119 = tpu.memref_slice %arg5[%add3A_75, %mul3A_32] : memref<16768x2048xf32, #tpu.memory_space<hbm>> -> memref<32x256xf32, #tpu.memory_space<hbm>>
      tpu.enqueue_dma source(%arg10 : memref<32x256xf32, #tpu.memory_space<vmem>>) target(%dma_start3A_119 : memref<32x256xf32, #tpu.memory_space<hbm>>) target_semaphore(%run_scoped3A : memref<!tpu.dma_semaphore, #tpu.memory_space<semaphore_mem>>)
      %dma_wait3A_120 = tpu.memref_slice %arg5[%add3A_75, %mul3A_32] : memref<16768x2048xf32, #tpu.memory_space<hbm>> -> memref<32x256xf32, #tpu.memory_space<hbm>>
      %dma_wait3A_121 = tpu.memref_slice %arg5[%add3A_75, %mul3A_32] : memref<16768x2048xf32, #tpu.memory_space<hbm>> -> memref<32x256xf32, #tpu.memory_space<hbm>>
      tpu.wait_dma2 semaphore(%run_scoped3A : memref<!tpu.dma_semaphore, #tpu.memory_space<semaphore_mem>>) src(%arg10 : memref<32x256xf32, #tpu.memory_space<vmem>>) dst(%dma_wait3A_121 : memref<32x256xf32, #tpu.memory_space<hbm>>)
      tpu.yield
    }) : () -> ()
    %parallel_loop3A_76 = arith.constant 0 : i32
    %parallel_loop3A_77 = arith.constant 256 : i32
    %parallel_loop3A_78 = arith.constant 1 : i32
    scf.for %parallel_loop3A_118 = %parallel_loop3A_76 to %parallel_loop3A_77 step %parallel_loop3A_78  : i32 {
      %parallel_loop3A_119 = arith.constant 512 : i32
      %parallel_loop3A_120 = arith.addi %parallel_loop3A_119, %parallel_loop3A_118 : i32
      %parallel_loop3A_121 = vector.broadcast %parallel_loop3A_120 : i32 to vector<16xi32>
      %parallel_loop3A_122 = tpu.vector_load_idx %arg7[%parallel_loop3A_121] : memref<768xf32, #tpu.memory_space<vmem>>[vector<16xi32>], vector<16xf32>,
      %parallel_loop3A_123 = vector.broadcast %parallel_loop3A_118 : i32 to vector<16xi32>
      %parallel_loop3A_124 = arith.constant 2 : i32
      %parallel_loop3A_125 = arith.muli %parallel_loop3A_118, %parallel_loop3A_124 : i32
      %parallel_loop3A_126 = arith.constant 0 : i32
      %parallel_loop3A_127 = arith.addi %parallel_loop3A_125, %parallel_loop3A_126 : i32
      %parallel_loop3A_128 = arith.constant 16 : i32
      %parallel_loop3A_129 = arith.muli %parallel_loop3A_127, %parallel_loop3A_128 : i32
      %parallel_loop3A_130 = arith.index_cast %parallel_loop3A_129 : i32 to index
      %parallel_loop3A_131 = tpu.vector_load %arg8[%parallel_loop3A_130] {strides = array<i32>} : memref<16400xi32, #tpu.memory_space<vmem>>, vector<16xi32>,
      %parallel_loop3A_132 = arith.constant 16384 : i32
      %parallel_loop3A_133 = vector.broadcast %parallel_loop3A_132 : i32 to vector<16xi32>
      %parallel_loop3A_134 = arith.addi %parallel_loop3A_131, %parallel_loop3A_133 : vector<16xi32>
      %parallel_loop3A_135 = tpu.vector_load_idx %arg6[%parallel_loop3A_134] : memref<24576xf32, #tpu.memory_space<vmem>>[vector<16xi32>], vector<16xf32>,
      %parallel_loop3A_136 = arith.constant 0 : i32
      %parallel_loop3A_137 = vector.broadcast %parallel_loop3A_136 : i32 to vector<16xi32>
      %parallel_loop3A_138 = arith.addi %iota3A, %parallel_loop3A_137 : vector<16xi32>
      %parallel_loop3A_139 = arith.subf %parallel_loop3A_135, %parallel_loop3A_122 : vector<16xf32>
      tpu.vector_store_idx %arg10[%parallel_loop3A_138, %parallel_loop3A_123], %parallel_loop3A_139 : memref<32x256xf32, #tpu.memory_space<vmem>>[vector<16xi32>, vector<16xi32>], vector<16xf32>,
      %parallel_loop3A_140 = arith.constant 2 : i32
      %parallel_loop3A_141 = arith.muli %parallel_loop3A_118, %parallel_loop3A_140 : i32
      %parallel_loop3A_142 = arith.constant 1 : i32
      %parallel_loop3A_143 = arith.addi %parallel_loop3A_141, %parallel_loop3A_142 : i32
      %parallel_loop3A_144 = arith.constant 16 : i32
      %parallel_loop3A_145 = arith.muli %parallel_loop3A_143, %parallel_loop3A_144 : i32
      %parallel_loop3A_146 = arith.index_cast %parallel_loop3A_145 : i32 to index
      %parallel_loop3A_147 = tpu.vector_load %arg8[%parallel_loop3A_146] {strides = array<i32>} : memref<16400xi32, #tpu.memory_space<vmem>>, vector<16xi32>,
      %parallel_loop3A_148 = arith.constant 16384 : i32
      %parallel_loop3A_149 = vector.broadcast %parallel_loop3A_148 : i32 to vector<16xi32>
      %parallel_loop3A_150 = arith.addi %parallel_loop3A_147, %parallel_loop3A_149 : vector<16xi32>
      %parallel_loop3A_151 = tpu.vector_load_idx %arg6[%parallel_loop3A_150] : memref<24576xf32, #tpu.memory_space<vmem>>[vector<16xi32>], vector<16xf32>,
      %parallel_loop3A_152 = arith.constant 16 : i32
      %parallel_loop3A_153 = vector.broadcast %parallel_loop3A_152 : i32 to vector<16xi32>
      %parallel_loop3A_154 = arith.addi %iota3A, %parallel_loop3A_153 : vector<16xi32>
      %parallel_loop3A_155 = arith.subf %parallel_loop3A_151, %parallel_loop3A_122 : vector<16xf32>
      tpu.vector_store_idx %arg10[%parallel_loop3A_154, %parallel_loop3A_123], %parallel_loop3A_155 : memref<32x256xf32, #tpu.memory_space<vmem>>[vector<16xi32>, vector<16xi32>], vector<16xf32>,
    } {sc.loop_unroll_factor = 2 : i64, sc.parallel_access}
    %add3A_79 = arith.constant 64 : i32
    %add3A_80 = arith.addi %mul3A_49, %add3A_79 : i32
    "tpu.region"() ({
      %run_scoped3A = tpu.sem_alloc : memref<!tpu.dma_semaphore, #tpu.memory_space<semaphore_mem>>
      %dma_start3A_118 = tpu.memref_slice %arg5[%add3A_80, %mul3A_32] : memref<16768x2048xf32, #tpu.memory_space<hbm>> -> memref<32x256xf32, #tpu.memory_space<hbm>>
      %dma_start3A_119 = tpu.memref_slice %arg5[%add3A_80, %mul3A_32] : memref<16768x2048xf32, #tpu.memory_space<hbm>> -> memref<32x256xf32, #tpu.memory_space<hbm>>
      tpu.enqueue_dma source(%arg10 : memref<32x256xf32, #tpu.memory_space<vmem>>) target(%dma_start3A_119 : memref<32x256xf32, #tpu.memory_space<hbm>>) target_semaphore(%run_scoped3A : memref<!tpu.dma_semaphore, #tpu.memory_space<semaphore_mem>>)
      %dma_wait3A_120 = tpu.memref_slice %arg5[%add3A_80, %mul3A_32] : memref<16768x2048xf32, #tpu.memory_space<hbm>> -> memref<32x256xf32, #tpu.memory_space<hbm>>
      %dma_wait3A_121 = tpu.memref_slice %arg5[%add3A_80, %mul3A_32] : memref<16768x2048xf32, #tpu.memory_space<hbm>> -> memref<32x256xf32, #tpu.memory_space<hbm>>
      tpu.wait_dma2 semaphore(%run_scoped3A : memref<!tpu.dma_semaphore, #tpu.memory_space<semaphore_mem>>) src(%arg10 : memref<32x256xf32, #tpu.memory_space<vmem>>) dst(%dma_wait3A_121 : memref<32x256xf32, #tpu.memory_space<hbm>>)
      tpu.yield
    }) : () -> ()
    %add3A_81 = arith.constant 16 : i32
    %add3A_82 = vector.broadcast %add3A_81 : i32 to vector<16xi32>
    %add3A_83 = arith.addi %iota3A, %add3A_82 : vector<16xi32>
    %dma_start3A = arith.constant 0 : i32
    %dma_start3A_84 = tpu.memref_slice %arg9[%dma_start3A] : memref<16384xf32, #tpu.memory_space<vmem>> -> memref<8192xf32, #tpu.memory_space<vmem>>
    %dma_start3A_85 = tpu.memref_slice %arg4[%mul3A_45] : memref<4194304xf32, #tpu.memory_space<hbm>> -> memref<8192xf32, #tpu.memory_space<hbm>>
    %dma_start3A_86 = arith.constant 0 : i32
    %dma_start3A_87 = tpu.memref_slice %arg9[%dma_start3A_86] : memref<16384xf32, #tpu.memory_space<vmem>> -> memref<8192xf32, #tpu.memory_space<vmem>>
    %dma_start3A_88 = tpu.memref_slice %arg4[%mul3A_45] : memref<4194304xf32, #tpu.memory_space<hbm>> -> memref<8192xf32, #tpu.memory_space<hbm>>
    tpu.enqueue_dma source(%dma_start3A_88 : memref<8192xf32, #tpu.memory_space<hbm>>) target(%dma_start3A_87 : memref<8192xf32, #tpu.memory_space<vmem>>) target_semaphore(%arg12 : memref<!tpu.dma_semaphore, #tpu.memory_space<semaphore_mem>>)
    %add3A_89 = arith.constant 8192 : i32
    %add3A_90 = arith.addi %mul3A_45, %add3A_89 : i32
    %dma_start3A_91 = arith.constant 8192 : i32
    %dma_start3A_92 = tpu.memref_slice %arg9[%dma_start3A_91] : memref<16384xf32, #tpu.memory_space<vmem>> -> memref<8192xf32, #tpu.memory_space<vmem>>
    %dma_start3A_93 = tpu.memref_slice %arg4[%add3A_90] : memref<4194304xf32, #tpu.memory_space<hbm>> -> memref<8192xf32, #tpu.memory_space<hbm>>
    %dma_start3A_94 = arith.constant 8192 : i32
    %dma_start3A_95 = tpu.memref_slice %arg9[%dma_start3A_94] : memref<16384xf32, #tpu.memory_space<vmem>> -> memref<8192xf32, #tpu.memory_space<vmem>>
    %dma_start3A_96 = tpu.memref_slice %arg4[%add3A_90] : memref<4194304xf32, #tpu.memory_space<hbm>> -> memref<8192xf32, #tpu.memory_space<hbm>>
    tpu.enqueue_dma source(%dma_start3A_96 : memref<8192xf32, #tpu.memory_space<hbm>>) target(%dma_start3A_95 : memref<8192xf32, #tpu.memory_space<vmem>>) target_semaphore(%arg13 : memref<!tpu.dma_semaphore, #tpu.memory_space<semaphore_mem>>)
    %scan3A_97 = arith.constant 0 : i32
    %scan3A_98 = arith.constant 0 : i32
    %scan3A_99 = arith.constant 64 : i32
    %scan3A_100 = arith.addi %scan3A_98, %scan3A_99 : i32
    %scan3A_101 = arith.constant 1 : i32
    scf.for %scan3A_118 = %scan3A_98 to %scan3A_100 step %scan3A_101  : i32 {
      %mul3A_119 = arith.constant 2 : i32
      %mul3A_120 = arith.muli %mul3A_119, %scan3A_118 : i32
      %add3A_121 = arith.constant 0 : i32
      %add3A_122 = arith.addi %mul3A_120, %add3A_121 : i32
      %mul3A_123 = arith.constant 8192 : i32
      %mul3A_124 = arith.muli %add3A_122, %mul3A_123 : i32
      %add3A_125 = arith.addi %mul3A_45, %mul3A_124 : i32
      %dma_wait3A_126 = arith.constant 0 : i32
      %dma_wait3A_127 = tpu.memref_slice %arg9[%dma_wait3A_126] : memref<16384xf32, #tpu.memory_space<vmem>> -> memref<8192xf32, #tpu.memory_space<vmem>>
      %dma_wait3A_128 = tpu.memref_slice %arg4[%add3A_125] : memref<4194304xf32, #tpu.memory_space<hbm>> -> memref<8192xf32, #tpu.memory_space<hbm>>
      %dma_wait3A_129 = arith.constant 0 : i32
      %dma_wait3A_130 = tpu.memref_slice %arg9[%dma_wait3A_129] : memref<16384xf32, #tpu.memory_space<vmem>> -> memref<8192xf32, #tpu.memory_space<vmem>>
      %dma_wait3A_131 = tpu.memref_slice %arg4[%add3A_125] : memref<4194304xf32, #tpu.memory_space<hbm>> -> memref<8192xf32, #tpu.memory_space<hbm>>
      tpu.wait_dma2 semaphore(%arg12 : memref<!tpu.dma_semaphore, #tpu.memory_space<semaphore_mem>>) src(%dma_wait3A_131 : memref<8192xf32, #tpu.memory_space<hbm>>) dst(%dma_wait3A_130 : memref<8192xf32, #tpu.memory_space<vmem>>)
      %gt3A = arith.constant 0 : i32
      %gt3A_132 = arith.cmpi sgt, %scan3A_118, %gt3A : i32
      %convert_element_type3A = arith.extui %gt3A_132 : i1 to i32
      %cond3A = arith.constant 0 : i32
      %cond3A_133 = arith.cmpi ne, %convert_element_type3A, %cond3A : i32
      scf.if %cond3A_133 {
        %dma_wait3A_197 = tpu.memref_slice %arg5[%mul3A_49, %mul3A_32] : memref<16768x2048xf32, #tpu.memory_space<hbm>> -> memref<32x256xf32, #tpu.memory_space<hbm>>
        %dma_wait3A_198 = tpu.memref_slice %arg5[%mul3A_49, %mul3A_32] : memref<16768x2048xf32, #tpu.memory_space<hbm>> -> memref<32x256xf32, #tpu.memory_space<hbm>>
        tpu.wait_dma2 semaphore(%arg14 : memref<!tpu.dma_semaphore, #tpu.memory_space<semaphore_mem>>) src(%arg10 : memref<32x256xf32, #tpu.memory_space<vmem>>) dst(%dma_wait3A_198 : memref<32x256xf32, #tpu.memory_space<hbm>>)
      } else {
      }
      %parallel_loop3A_134 = arith.constant 0 : i32
      %parallel_loop3A_135 = arith.constant 256 : i32
      %parallel_loop3A_136 = arith.constant 1 : i32
      scf.for %parallel_loop3A_197 = %parallel_loop3A_134 to %parallel_loop3A_135 step %parallel_loop3A_136  : i32 {
        %parallel_loop3A_198 = vector.broadcast %parallel_loop3A_197 : i32 to vector<16xi32>
        %parallel_loop3A_199 = arith.constant 2 : i32
        %parallel_loop3A_200 = arith.muli %parallel_loop3A_199, %parallel_loop3A_197 : i32
        %parallel_loop3A_201 = arith.constant 0 : i32
        %parallel_loop3A_202 = arith.addi %parallel_loop3A_200, %parallel_loop3A_201 : i32
        %parallel_loop3A_203 = arith.constant 16 : i32
        %parallel_loop3A_204 = arith.muli %parallel_loop3A_202, %parallel_loop3A_203 : i32
        %parallel_loop3A_205 = arith.index_cast %parallel_loop3A_204 : i32 to index
        %parallel_loop3A_206 = tpu.vector_load %arg8[%parallel_loop3A_205] {strides = array<i32>} : memref<16400xi32, #tpu.memory_space<vmem>>, vector<16xi32>,
        %parallel_loop3A_207 = tpu.vector_load_idx %arg9[%parallel_loop3A_206] : memref<16384xf32, #tpu.memory_space<vmem>>[vector<16xi32>], vector<16xf32>,
        tpu.vector_store_idx %arg10[%iota3A, %parallel_loop3A_198], %parallel_loop3A_207 : memref<32x256xf32, #tpu.memory_space<vmem>>[vector<16xi32>, vector<16xi32>], vector<16xf32>,
        %parallel_loop3A_208 = arith.constant 2 : i32
        %parallel_loop3A_209 = arith.muli %parallel_loop3A_208, %parallel_loop3A_197 : i32
        %parallel_loop3A_210 = arith.constant 1 : i32
        %parallel_loop3A_211 = arith.addi %parallel_loop3A_209, %parallel_loop3A_210 : i32
        %parallel_loop3A_212 = arith.constant 16 : i32
        %parallel_loop3A_213 = arith.muli %parallel_loop3A_211, %parallel_loop3A_212 : i32
        %parallel_loop3A_214 = arith.index_cast %parallel_loop3A_213 : i32 to index
        %parallel_loop3A_215 = tpu.vector_load %arg8[%parallel_loop3A_214] {strides = array<i32>} : memref<16400xi32, #tpu.memory_space<vmem>>, vector<16xi32>,
        %parallel_loop3A_216 = tpu.vector_load_idx %arg9[%parallel_loop3A_215] : memref<16384xf32, #tpu.memory_space<vmem>>[vector<16xi32>], vector<16xf32>,
        tpu.vector_store_idx %arg10[%add3A_83, %parallel_loop3A_198], %parallel_loop3A_216 : memref<32x256xf32, #tpu.memory_space<vmem>>[vector<16xi32>, vector<16xi32>], vector<16xf32>,
      } {sc.loop_unroll_factor = 4 : i64, sc.parallel_access}
      %add3A_137 = arith.constant 3 : i32
      %add3A_138 = arith.addi %add3A_137, %add3A_122 : i32
      %mul3A_139 = arith.constant 32 : i32
      %mul3A_140 = arith.muli %add3A_138, %mul3A_139 : i32
      %add3A_141 = arith.addi %mul3A_49, %mul3A_140 : i32
      %dma_start3A_142 = tpu.memref_slice %arg5[%add3A_141, %mul3A_32] : memref<16768x2048xf32, #tpu.memory_space<hbm>> -> memref<32x256xf32, #tpu.memory_space<hbm>>
      %dma_start3A_143 = tpu.memref_slice %arg5[%add3A_141, %mul3A_32] : memref<16768x2048xf32, #tpu.memory_space<hbm>> -> memref<32x256xf32, #tpu.memory_space<hbm>>
      tpu.enqueue_dma source(%arg10 : memref<32x256xf32, #tpu.memory_space<vmem>>) target(%dma_start3A_143 : memref<32x256xf32, #tpu.memory_space<hbm>>) target_semaphore(%arg14 : memref<!tpu.dma_semaphore, #tpu.memory_space<semaphore_mem>>)
      %add3A_144 = arith.constant 2 : i32
      %add3A_145 = arith.addi %add3A_122, %add3A_144 : i32
      %min3A = arith.constant 127 : i32
      %min3A_146 = arith.minsi %add3A_145, %min3A : i32
      %mul3A_147 = arith.constant 8192 : i32
      %mul3A_148 = arith.muli %min3A_146, %mul3A_147 : i32
      %add3A_149 = arith.addi %mul3A_45, %mul3A_148 : i32
      %dma_start3A_150 = arith.constant 0 : i32
      %dma_start3A_151 = tpu.memref_slice %arg9[%dma_start3A_150] : memref<16384xf32, #tpu.memory_space<vmem>> -> memref<8192xf32, #tpu.memory_space<vmem>>
      %dma_start3A_152 = tpu.memref_slice %arg4[%add3A_149] : memref<4194304xf32, #tpu.memory_space<hbm>> -> memref<8192xf32, #tpu.memory_space<hbm>>
      %dma_start3A_153 = arith.constant 0 : i32
      %dma_start3A_154 = tpu.memref_slice %arg9[%dma_start3A_153] : memref<16384xf32, #tpu.memory_space<vmem>> -> memref<8192xf32, #tpu.memory_space<vmem>>
      %dma_start3A_155 = tpu.memref_slice %arg4[%add3A_149] : memref<4194304xf32, #tpu.memory_space<hbm>> -> memref<8192xf32, #tpu.memory_space<hbm>>
      tpu.enqueue_dma source(%dma_start3A_155 : memref<8192xf32, #tpu.memory_space<hbm>>) target(%dma_start3A_154 : memref<8192xf32, #tpu.memory_space<vmem>>) target_semaphore(%arg12 : memref<!tpu.dma_semaphore, #tpu.memory_space<semaphore_mem>>)
      %mul3A_156 = arith.constant 2 : i32
      %mul3A_157 = arith.muli %mul3A_156, %scan3A_118 : i32
      %add3A_158 = arith.constant 1 : i32
      %add3A_159 = arith.addi %mul3A_157, %add3A_158 : i32
      %mul3A_160 = arith.constant 8192 : i32
      %mul3A_161 = arith.muli %add3A_159, %mul3A_160 : i32
      %add3A_162 = arith.addi %mul3A_45, %mul3A_161 : i32
      %dma_wait3A_163 = arith.constant 8192 : i32
      %dma_wait3A_164 = tpu.memref_slice %arg9[%dma_wait3A_163] : memref<16384xf32, #tpu.memory_space<vmem>> -> memref<8192xf32, #tpu.memory_space<vmem>>
      %dma_wait3A_165 = tpu.memref_slice %arg4[%add3A_162] : memref<4194304xf32, #tpu.memory_space<hbm>> -> memref<8192xf32, #tpu.memory_space<hbm>>
      %dma_wait3A_166 = arith.constant 8192 : i32
      %dma_wait3A_167 = tpu.memref_slice %arg9[%dma_wait3A_166] : memref<16384xf32, #tpu.memory_space<vmem>> -> memref<8192xf32, #tpu.memory_space<vmem>>
      %dma_wait3A_168 = tpu.memref_slice %arg4[%add3A_162] : memref<4194304xf32, #tpu.memory_space<hbm>> -> memref<8192xf32, #tpu.memory_space<hbm>>
      tpu.wait_dma2 semaphore(%arg13 : memref<!tpu.dma_semaphore, #tpu.memory_space<semaphore_mem>>) src(%dma_wait3A_168 : memref<8192xf32, #tpu.memory_space<hbm>>) dst(%dma_wait3A_167 : memref<8192xf32, #tpu.memory_space<vmem>>)
      %gt3A_169 = arith.constant 0 : i32
      %gt3A_170 = arith.cmpi sgt, %scan3A_118, %gt3A_169 : i32
      %convert_element_type3A_171 = arith.extui %gt3A_170 : i1 to i32
      %cond3A_172 = arith.constant 0 : i32
      %cond3A_173 = arith.cmpi ne, %convert_element_type3A_171, %cond3A_172 : i32
      scf.if %cond3A_173 {
        %dma_wait3A_197 = tpu.memref_slice %arg5[%mul3A_49, %mul3A_32] : memref<16768x2048xf32, #tpu.memory_space<hbm>> -> memref<32x256xf32, #tpu.memory_space<hbm>>
        %dma_wait3A_198 = tpu.memref_slice %arg5[%mul3A_49, %mul3A_32] : memref<16768x2048xf32, #tpu.memory_space<hbm>> -> memref<32x256xf32, #tpu.memory_space<hbm>>
        tpu.wait_dma2 semaphore(%arg15 : memref<!tpu.dma_semaphore, #tpu.memory_space<semaphore_mem>>) src(%arg11 : memref<32x256xf32, #tpu.memory_space<vmem>>) dst(%dma_wait3A_198 : memref<32x256xf32, #tpu.memory_space<hbm>>)
      } else {
      }
      %parallel_loop3A_174 = arith.constant 0 : i32
      %parallel_loop3A_175 = arith.constant 256 : i32
      %parallel_loop3A_176 = arith.constant 1 : i32
      scf.for %parallel_loop3A_197 = %parallel_loop3A_174 to %parallel_loop3A_175 step %parallel_loop3A_176  : i32 {
        %parallel_loop3A_198 = vector.broadcast %parallel_loop3A_197 : i32 to vector<16xi32>
        %parallel_loop3A_199 = arith.constant 2 : i32
        %parallel_loop3A_200 = arith.muli %parallel_loop3A_199, %parallel_loop3A_197 : i32
        %parallel_loop3A_201 = arith.constant 0 : i32
        %parallel_loop3A_202 = arith.addi %parallel_loop3A_200, %parallel_loop3A_201 : i32
        %parallel_loop3A_203 = arith.constant 16 : i32
        %parallel_loop3A_204 = arith.muli %parallel_loop3A_202, %parallel_loop3A_203 : i32
        %parallel_loop3A_205 = arith.index_cast %parallel_loop3A_204 : i32 to index
        %parallel_loop3A_206 = tpu.vector_load %arg8[%parallel_loop3A_205] {strides = array<i32>} : memref<16400xi32, #tpu.memory_space<vmem>>, vector<16xi32>,
        %parallel_loop3A_207 = arith.constant 8192 : i32
        %parallel_loop3A_208 = vector.broadcast %parallel_loop3A_207 : i32 to vector<16xi32>
        %parallel_loop3A_209 = arith.addi %parallel_loop3A_206, %parallel_loop3A_208 : vector<16xi32>
        %parallel_loop3A_210 = tpu.vector_load_idx %arg9[%parallel_loop3A_209] : memref<16384xf32, #tpu.memory_space<vmem>>[vector<16xi32>], vector<16xf32>,
        tpu.vector_store_idx %arg11[%iota3A, %parallel_loop3A_198], %parallel_loop3A_210 : memref<32x256xf32, #tpu.memory_space<vmem>>[vector<16xi32>, vector<16xi32>], vector<16xf32>,
        %parallel_loop3A_211 = arith.constant 2 : i32
        %parallel_loop3A_212 = arith.muli %parallel_loop3A_211, %parallel_loop3A_197 : i32
        %parallel_loop3A_213 = arith.constant 1 : i32
        %parallel_loop3A_214 = arith.addi %parallel_loop3A_212, %parallel_loop3A_213 : i32
        %parallel_loop3A_215 = arith.constant 16 : i32
        %parallel_loop3A_216 = arith.muli %parallel_loop3A_214, %parallel_loop3A_215 : i32
        %parallel_loop3A_217 = arith.index_cast %parallel_loop3A_216 : i32 to index
        %parallel_loop3A_218 = tpu.vector_load %arg8[%parallel_loop3A_217] {strides = array<i32>} : memref<16400xi32, #tpu.memory_space<vmem>>, vector<16xi32>,
        %parallel_loop3A_219 = arith.constant 8192 : i32
        %parallel_loop3A_220 = vector.broadcast %parallel_loop3A_219 : i32 to vector<16xi32>
        %parallel_loop3A_221 = arith.addi %parallel_loop3A_218, %parallel_loop3A_220 : vector<16xi32>
        %parallel_loop3A_222 = tpu.vector_load_idx %arg9[%parallel_loop3A_221] : memref<16384xf32, #tpu.memory_space<vmem>>[vector<16xi32>], vector<16xf32>,
        tpu.vector_store_idx %arg11[%add3A_83, %parallel_loop3A_198], %parallel_loop3A_222 : memref<32x256xf32, #tpu.memory_space<vmem>>[vector<16xi32>, vector<16xi32>], vector<16xf32>,
      } {sc.loop_unroll_factor = 4 : i64, sc.parallel_access}
      %add3A_177 = arith.constant 3 : i32
      %add3A_178 = arith.addi %add3A_177, %add3A_159 : i32
      %mul3A_179 = arith.constant 32 : i32
      %mul3A_180 = arith.muli %add3A_178, %mul3A_179 : i32
      %add3A_181 = arith.addi %mul3A_49, %mul3A_180 : i32
      %dma_start3A_182 = tpu.memref_slice %arg5[%add3A_181, %mul3A_32] : memref<16768x2048xf32, #tpu.memory_space<hbm>> -> memref<32x256xf32, #tpu.memory_space<hbm>>
      %dma_start3A_183 = tpu.memref_slice %arg5[%add3A_181, %mul3A_32] : memref<16768x2048xf32, #tpu.memory_space<hbm>> -> memref<32x256xf32, #tpu.memory_space<hbm>>
      tpu.enqueue_dma source(%arg11 : memref<32x256xf32, #tpu.memory_space<vmem>>) target(%dma_start3A_183 : memref<32x256xf32, #tpu.memory_space<hbm>>) target_semaphore(%arg15 : memref<!tpu.dma_semaphore, #tpu.memory_space<semaphore_mem>>)
      %add3A_184 = arith.constant 2 : i32
      %add3A_185 = arith.addi %add3A_159, %add3A_184 : i32
      %min3A_186 = arith.constant 127 : i32
      %min3A_187 = arith.minsi %add3A_185, %min3A_186 : i32
      %mul3A_188 = arith.constant 8192 : i32
      %mul3A_189 = arith.muli %min3A_187, %mul3A_188 : i32
      %add3A_190 = arith.addi %mul3A_45, %mul3A_189 : i32
      %dma_start3A_191 = arith.constant 8192 : i32
      %dma_start3A_192 = tpu.memref_slice %arg9[%dma_start3A_191] : memref<16384xf32, #tpu.memory_space<vmem>> -> memref<8192xf32, #tpu.memory_space<vmem>>
      %dma_start3A_193 = tpu.memref_slice %arg4[%add3A_190] : memref<4194304xf32, #tpu.memory_space<hbm>> -> memref<8192xf32, #tpu.memory_space<hbm>>
      %dma_start3A_194 = arith.constant 8192 : i32
      %dma_start3A_195 = tpu.memref_slice %arg9[%dma_start3A_194] : memref<16384xf32, #tpu.memory_space<vmem>> -> memref<8192xf32, #tpu.memory_space<vmem>>
      %dma_start3A_196 = tpu.memref_slice %arg4[%add3A_190] : memref<4194304xf32, #tpu.memory_space<hbm>> -> memref<8192xf32, #tpu.memory_space<hbm>>
      tpu.enqueue_dma source(%dma_start3A_196 : memref<8192xf32, #tpu.memory_space<hbm>>) target(%dma_start3A_195 : memref<8192xf32, #tpu.memory_space<vmem>>) target_semaphore(%arg13 : memref<!tpu.dma_semaphore, #tpu.memory_space<semaphore_mem>>)
    }
    %scan3A_102 = arith.constant 64 : i32
    %dma_wait3A = arith.constant 0 : i32
    %dma_wait3A_103 = tpu.memref_slice %arg9[%dma_wait3A] : memref<16384xf32, #tpu.memory_space<vmem>> -> memref<8192xf32, #tpu.memory_space<vmem>>
    %dma_wait3A_104 = tpu.memref_slice %arg4[%mul3A_45] : memref<4194304xf32, #tpu.memory_space<hbm>> -> memref<8192xf32, #tpu.memory_space<hbm>>
    %dma_wait3A_105 = arith.constant 0 : i32
    %dma_wait3A_106 = tpu.memref_slice %arg9[%dma_wait3A_105] : memref<16384xf32, #tpu.memory_space<vmem>> -> memref<8192xf32, #tpu.memory_space<vmem>>
    %dma_wait3A_107 = tpu.memref_slice %arg4[%mul3A_45] : memref<4194304xf32, #tpu.memory_space<hbm>> -> memref<8192xf32, #tpu.memory_space<hbm>>
    tpu.wait_dma2 semaphore(%arg12 : memref<!tpu.dma_semaphore, #tpu.memory_space<semaphore_mem>>) src(%dma_wait3A_107 : memref<8192xf32, #tpu.memory_space<hbm>>) dst(%dma_wait3A_106 : memref<8192xf32, #tpu.memory_space<vmem>>)
    %dma_wait3A_108 = arith.constant 8192 : i32
    %dma_wait3A_109 = tpu.memref_slice %arg9[%dma_wait3A_108] : memref<16384xf32, #tpu.memory_space<vmem>> -> memref<8192xf32, #tpu.memory_space<vmem>>
    %dma_wait3A_110 = tpu.memref_slice %arg4[%mul3A_45] : memref<4194304xf32, #tpu.memory_space<hbm>> -> memref<8192xf32, #tpu.memory_space<hbm>>
    %dma_wait3A_111 = arith.constant 8192 : i32
    %dma_wait3A_112 = tpu.memref_slice %arg9[%dma_wait3A_111] : memref<16384xf32, #tpu.memory_space<vmem>> -> memref<8192xf32, #tpu.memory_space<vmem>>
    %dma_wait3A_113 = tpu.memref_slice %arg4[%mul3A_45] : memref<4194304xf32, #tpu.memory_space<hbm>> -> memref<8192xf32, #tpu.memory_space<hbm>>
    tpu.wait_dma2 semaphore(%arg13 : memref<!tpu.dma_semaphore, #tpu.memory_space<semaphore_mem>>) src(%dma_wait3A_113 : memref<8192xf32, #tpu.memory_space<hbm>>) dst(%dma_wait3A_112 : memref<8192xf32, #tpu.memory_space<vmem>>)
    %dma_wait3A_114 = tpu.memref_slice %arg5[%mul3A_49, %mul3A_32] : memref<16768x2048xf32, #tpu.memory_space<hbm>> -> memref<32x256xf32, #tpu.memory_space<hbm>>
    %dma_wait3A_115 = tpu.memref_slice %arg5[%mul3A_49, %mul3A_32] : memref<16768x2048xf32, #tpu.memory_space<hbm>> -> memref<32x256xf32, #tpu.memory_space<hbm>>
    tpu.wait_dma2 semaphore(%arg14 : memref<!tpu.dma_semaphore, #tpu.memory_space<semaphore_mem>>) src(%arg10 : memref<32x256xf32, #tpu.memory_space<vmem>>) dst(%dma_wait3A_115 : memref<32x256xf32, #tpu.memory_space<hbm>>)
    %dma_wait3A_116 = tpu.memref_slice %arg5[%mul3A_49, %mul3A_32] : memref<16768x2048xf32, #tpu.memory_space<hbm>> -> memref<32x256xf32, #tpu.memory_space<hbm>>
    %dma_wait3A_117 = tpu.memref_slice %arg5[%mul3A_49, %mul3A_32] : memref<16768x2048xf32, #tpu.memory_space<hbm>> -> memref<32x256xf32, #tpu.memory_space<hbm>>
    tpu.wait_dma2 semaphore(%arg15 : memref<!tpu.dma_semaphore, #tpu.memory_space<semaphore_mem>>) src(%arg11 : memref<32x256xf32, #tpu.memory_space<vmem>>) dst(%dma_wait3A_117 : memref<32x256xf32, #tpu.memory_space<hbm>>)
    return
  }
}

</mosaic_0001>

<sc_bundles>
// kernel: kernel.3.cloned.1.call-start
scs
__scs_entry_jumppad:
0x0: {  	(pc) =	sbr.rel $0x88, $3  }
0x1: {  	(tag) =	ssettag $0x0;
	lr =	simm.s32 $0x1  }
0x2: {  	[smem:$0x3F9E] =	sst lr;
	_ =	strace $0xD0000000  }
0x3: {  	_ = 	snop  }
0x4: {  	_ = 	snop  }
0x5: {  	_ = 	snop  }
0x6: {  	_ = 	snop  }
0x7: {  	_ = 	snop  }
__scs_overlays_trampoline_lowered:
0x8: {  	[smem:$0x3FAD] =	sst s0  }
0x9: {  	[smem:$0x3FAE] =	sst s1  }
0xa: {  	[smem:$0x3FAF] =	sst s2  }
0xb: {  	[smem:$0x3FB0] =	sst s3  }
0xc: {  	[smem:$0x3FB1] =	sst s4  }
0xd: {  	[smem:$0x3FB2] =	sst s5  }
0xe: {  	[smem:$0x3FB3] =	sst s6  }
0xf: {  	[smem:$0x3FB4] =	sst s7  }
0x10: {  	[smem:$0x3FB5] =	sst s8  }
0x11: {  	[smem:$0x3FB6] =	sst s9;
	s0 =	simm.s32 @!p0 $0x0  }
0x12: {  	s1 =	sld [smem:$0x3F9C];
	s0 =	simm.s32 @p0 $0x1  }
0x13: {  	[smem:$0x3FB7] =	sst s0;
	s0 =	simm.s32 @!p1 $0x0  }
0x14: {  	s2 =	sld [smem:$0x3F9B];
	s0 =	simm.s32 @p1 $0x1  }
0x15: {  	[smem:$0x3FB8] =	sst s0;
	s0 =	simm.s32 @!p2 $0x0  }
0x16: {  	s3 =	sld [smem:$0x3FDB];
	s0 =	simm.s32 @p2 $0x1  }
0x17: {  	s4 =	simm.s32 $0x1BF5;
	[smem:$0x3FBA] =	sst s0  }
0x18: {  	s0 =	sld [smem:$0x3F9D];
	_ =	swait.ge [sflag:s4], $0x0  }
0x19: {  	s7 =	sld [smem:$0x3F9E]  }
0x1a: {  	s8 =	sadd.s32 $0xFFFFE003, lr  }
0x1b: {  	s9 =	sadd.s32 $0xFFFFFEF7, lr;
	s5 =	simm.s32 $0xFFFFFFFF;
	p2 =	slt.u32 s8, $0xFFFFF086  }
0x1c: {  	p1 =	slt.u32 s9, $0xF7A;
	s5 =	simm.s32 @!p2 $0x0  }
0x1d: {  	s5 =	simm.s32 @p1 $0x1;
	p0 =	seq.s32 s7, s2  }
0x1e: {  	s7 =	smul.u32 @!p0 $0xF7A, s2;
	p2 =	seq.s32 @!p0 s5, $0x0  }
0x1f: {  	s9 =	smul.u32 $0xF7A, s1;
	s8 =	simm.s32 @!p0 $0x1BF5;
	p2 =	por !p2, p0  }
0x20: {  	[sflag:s8] =	ssyncset.s32 @!p0 $0xFFFFF086;
	s6 =	sadd.s32 @!p0 s3, s7;
	s7 =	simm.s32 @!p0 $0x108  }
0x21: {  	s3 =	sadd.s32 s3, s9;
	s6 =	sadd.s32 @!p0 $0x88, s6;
	s7 =	simm.s32 @p2 $0x1082  }
0x22: {  	[simem:s7], [sflag:s8] =	dma.local @!p0 [hbm:s6], $0xF7A  }
0x23: {  	s9 =	sor.u32 $0xD0000000, s2;
	s6 =	simm.s32 $0x108;
	_ =	swait.ge @!p0 [sflag:s8], $0x0  }
0x24: {  	s3 =	sadd.s32 $0x88, s3;
	s6 =	simm.s32 @!p1 $0x1082;
	[sflag:s4] =	ssyncset.s32 $0xFFFFF086  }
0x25: {  	[simem:s6], [sflag:s4] =	dma.local [hbm:s3], $0xF7A  }
0x26: {  	[smem:$0x3F9E] =	sst s1;
	(tag) =	ssettag s2;
	_ =	strace s9  }
0x27: {  	s1 =	sld [smem:$0x3FAE]  }
0x28: {  	s2 =	sld [smem:$0x3FAF]  }
0x29: {  	s4 =	sld [smem:$0x3FB1]  }
0x2a: {  	p0 =	seq.s32 s5, $0x0;
	s5 =	sld [smem:$0x3FB2]  }
0x2b: {  	s6 =	sld [smem:$0x3FB3]  }
0x2c: {  	s7 =	sld [smem:$0x3FB4]  }
0x2d: {  	s3 =	simm.s32 $0x108;
	s8 =	sld [smem:$0x3FB5]  }
0x2e: {  	s3 =	simm.s32 @!p0 $0x1082;
	s9 =	sld [smem:$0x3FB6]  }
0x2f: {  	lr =	sadd.s32 s0, s3;
	s0 =	sld [smem:$0x3FAD]  }
0x30: {  	s3 =	sld [smem:$0x3FB0]  }
0x31: {  	[smem:$0x3FB9] =	sst s10  }
0x32: {  	s10 =	sld [smem:$0x3FB7];
	_ =	sdelay $0x3  }
0x33: {  	p0 =	seq.s32 s10, $0x1;
	s10 =	sld [smem:$0x3FB9];
	_ =	sdelay $0x3  }
0x34: {  	[smem:$0x3FB9] =	sst s10  }
0x35: {  	s10 =	sld [smem:$0x3FB8];
	_ =	sdelay $0x3  }
0x36: {  	p1 =	seq.s32 s10, $0x1;
	s10 =	sld [smem:$0x3FB9];
	_ =	sdelay $0x3  }
0x37: {  	[smem:$0x3FB9] =	sst s10  }
0x38: {  	s10 =	sld [smem:$0x3FBA]  }
0x39: {  	_ = 	snop;
	(pc) =	sbr.ind lr, $3  }
0x3a: {  	_ = 	snop  }
0x3b: {  	_ = 	snop  }
0x3c: {  	p2 =	seq.s32 s10, $0x1;
	s10 =	sld [smem:$0x3FB9]  }
0x3d: {  	_ =	shalt  }
0x3e: {  	_ =	shalt  }
0x3f: {  	_ =	shalt  }
0x40: {  	_ =	shalt  }
0x41: {  	_ =	shalt  }
0x42: {  	_ =	shalt  }
0x43: {  	_ =	shalt  }
0x44: {  	_ =	shalt  }
0x45: {  	_ =	shalt  }
0x46: {  	_ =	shalt  }
0x47: {  	_ =	shalt  }
0x48: {  	_ =	shalt  }
0x49: {  	_ =	shalt  }
0x4a: {  	_ =	shalt  }
0x4b: {  	_ =	shalt  }
0x4c: {  	_ =	shalt  }
0x4d: {  	_ =	shalt  }
0x4e: {  	_ =	shalt  }
0x4f: {  	_ =	shalt  }
0x50: {  	_ =	shalt  }
0x51: {  	_ =	shalt  }
0x52: {  	_ =	shalt  }
0x53: {  	_ =	shalt  }
0x54: {  	_ =	shalt  }
0x55: {  	_ =	shalt  }
0x56: {  	_ =	shalt  }
0x57: {  	_ =	shalt  }
0x58: {  	_ =	shalt  }
0x59: {  	_ =	shalt  }
0x5a: {  	_ =	shalt  }
0x5b: {  	_ =	shalt  }
0x5c: {  	_ =	shalt  }
0x5d: {  	_ =	shalt  }
0x5e: {  	_ =	shalt  }
0x5f: {  	_ =	shalt  }
0x60: {  	_ =	shalt  }
0x61: {  	_ =	shalt  }
0x62: {  	_ =	shalt  }
0x63: {  	_ =	shalt  }
0x64: {  	_ =	shalt  }
0x65: {  	_ =	shalt  }
0x66: {  	_ =	shalt  }
0x67: {  	_ =	shalt  }
0x68: {  	_ =	shalt  }
0x69: {  	_ =	shalt  }
0x6a: {  	_ =	shalt  }
0x6b: {  	_ =	shalt  }
0x6c: {  	_ =	shalt  }
0x6d: {  	_ =	shalt  }
0x6e: {  	_ =	shalt  }
0x6f: {  	_ =	shalt  }
0x70: {  	_ =	shalt  }
0x71: {  	_ =	shalt  }
0x72: {  	_ =	shalt  }
0x73: {  	_ =	shalt  }
0x74: {  	_ =	shalt  }
0x75: {  	_ =	shalt  }
0x76: {  	_ =	shalt  }
0x77: {  	_ =	shalt  }
0x78: {  	_ =	shalt  }
0x79: {  	_ =	shalt  }
0x7a: {  	_ =	shalt  }
0x7b: {  	_ =	shalt  }
0x7c: {  	_ =	shalt  }
0x7d: {  	_ =	shalt  }
0x7e: {  	_ =	shalt  }
0x7f: {  	_ =	shalt  }
0x80: {  	_ =	shalt  }
0x81: {  	_ =	shalt  }
0x82: {  	_ =	shalt  }
0x83: {  	_ =	shalt  }
0x84: {  	_ =	shalt  }
0x85: {  	_ =	shalt  }
0x86: {  	_ =	shalt  }
0x87: {  	_ =	shalt  }
.Lfunc_end0:
.L_simem_size_0:
called_computation_lowered:
.L_overlay_start_0:
0x88: {  	s2 =	sld [smem:$0x3FD9]  }
0x89: {  	s3 =	sld [smem:$0x3FFE];
	_ =	sdelay $0x1  }
0x8a: {  	s1 =	srdreg.scid  }
0x8b: {  	s0 =	sand.u32 $0x1, s1  }
0x8c: {  	s17 =	sshll.u32 s0, $0xA;
	s2 =	sadd.s32 s3, s2  }
0x8d: {  	s2 =	sadd.s32 s2, s17  }
0x8e: {  	[smem:$0x3FC5] =	sst s2  }
0x8f: {  	_ = 	snop  }
0x90: {  	s2 =	sld [smem:$0x3FD0];
	(tm) =	ssettm $0x1  }
0x91: {  	s18 =	sld [smem:$0x3FFB];
	_ =	sdelay $0x3  }
0x92: {  	_ =	strace s18  }
0x93: {  	s3 =	sld [smem:$0x3FFC];
	_ =	sdelay $0x3  }
0x94: {  	_ =	strace s3  }
0x95: {  	s3 =	sld [smem:$0x3FFD];
	_ =	sdelay $0x3  }
0x96: {  	_ =	strace s3  }
0x97: {  	_ =	strace $0x8FFFFFFF  }
0x98: {  	s19 =	sld [smem:$0x3FDB];
	_ =	sdelay $0x1  }
0x99: {  	s4 =	simm.s32 $_scs_section_size  }
0x9a: {  	s5 =	simm.s32 $_size__tile_overlayer_lowered;
	s6 =	simm.s32 $_tile_overlayer_lowered  }
0x9b: {  	s22 =	simm.s32 $0x1BFF;
	s21 =	sshll.u32 s6, $0x1;
	s3 =	sadd.s32 s4, s19  }
0x9c: {  	s7 =	simm.s32 $0x0;
	s20 =	sshll.u32 s5, $0x1;
	s5 =	sadd.s32 s21, s3  }
0x9d: {  	[timem:s7], [sflag:s22] =	dma.local [hbm:s5], s20  }
0x9e: {  	_ =	swait.ge [sflag:s22], s20  }
0x9f: {  	s4 =	ssub.s32 $0x0, s20;
	[sflag:s22] =	ssyncset.done $0x0  }
0xa0: {  	[sflag:s22] =	ssyncadd.s32 s4;
	_ =	sdelay $0x1  }
0xa1: {  	s23 =	simm.s32 $0x1B8B  }
0xa2: {  	_ =	swait.ge [sflag:s23], $0x1  }
0xa3: {  	[sflag:s23] =	ssyncset.done $0x0  }
0xa4: {  	s25 =	simm.s32 $0x1B8E;
	s24 =	sld [smem:$0x3FFE];
	[sflag:s23] =	ssyncadd.s32 $0xFFFFFFFF  }
0xa5: {  	s26 =	simm.s32 $execute0_lowered;
	[smem:$0x3FD2] =	sst s25  }
0xa6: {  	s5 =	sshll.u32 s26, $0x1;
	_ =	strace $0x80000046;
	[dreg:$0x1] =	wrdreg $0xFFFFFFFF  }
0xa7: {  	s28 =	simm.s32 $_size_execute0_lowered;
	s3 =	sadd.s32 s3, s5;
	[dreg:$0x0] =	wrdreg $0x0  }
0xa8: {  	s5 =	sshll.u32 s28, $0x1;
	[dreg:$0x2] =	wrdreg s3  }
0xa9: {  	[dreg:$0x3] =	wrdreg s5  }
0xaa: {  	[dreg:$0x4] =	wrdreg $0xC0  }
0xab: {  	_ =	task [dreg:s7], $0x5FFFF  }
0xac: {  	[dreg:$0x1] =	wrdreg $0xFFFFFFFF  }
0xad: {  	[dreg:$0x0] =	wrdreg $0x60  }
0xae: {  	[dreg:$0x2] =	wrdreg s24  }
0xaf: {  	[dreg:$0x3] =	wrdreg s2  }
0xb0: {  	[dreg:$0x4] =	wrdreg $0x9  }
0xb1: {  	_ =	task.clear_ibuf [dreg:s7], $0x5FFFF;
	_ =	strace $0x90000046  }
0xb2: {  	s29 =	simm.s32 $0x9;
	_ =	strace $0x80000048  }
0xb3: {  	_ =	swait.ge [sflag:s29], $0x1  }
0xb4: {  	[sflag:s29] =	ssyncadd.s32 $0xFFFFFFFF  }
0xb5: {  	_ =	strace $0x90000048  }
0xb6: {  	_ =	sfence  }
0xb7: {  	s30 =	sld [smem:$0x0];
	_ =	sdelay $0x2  }
0xb8: {  	s31 =	sshll.u32 s1, $0xD;
	s1 =	sshrl.u32 s1, $0x2  }
0xb9: {  	s3 =	sand.u32 $0x4000, s31;
	s1 =	sadd.s32 s1, s30  }
0xba: {  	s0 =	sor.u32 s3, s0;
	s1 =	sshll.u32 s1, $0x11  }
0xbb: {  	s0 =	sor.u32 s1, s0  }
0xbc: {  	s0 =	sadd.s32 $0x8F2B, s0  }
0xbd: {  	[sflag:s0] =	ssyncadd.remote.s32 $0x1  }
0xbe: {  	_ =	sfence.sel $0xFFFF  }
0xbf: {  	[dreg:$0x0] =	wrdreg $0xFFFFFFFF;
	(pc) =	sbr.abs _section_cstart, $3  }
0xc0: {  	[dreg:$0x1] =	wrdreg $0xFFFFFFFF  }
0xc1: {  	_ =	task.clear_ibuf [dreg:s7], $0x2FFFF;
	_ =	strace $0x9FFFFFFF  }
0xc2: {  	(tm) =	ssettm $0x7FFFFFFF  }
0xc3: {  	_ =	shalt  }
tec
execute0_lowered:
.L_overlay_start_1:
0x0: {  	(tag) =	ssettag $0x1  }
0x1: {  	s1 =	rddreg [dreg:$0x0]  }
0x2: {  	s0 =	rddreg [dreg:$0x1];
	s4 =	stileid.u32  }
0x3: {  	s2 =	srdreg.scid;
	s28 =	simm.s32 $0x6300;
	s29 =	simm.s32 $0xE380  }
0x4: {  	s30 =	simm.s32 $0x800;
	s31 =	simm.s32 $0xA380;
	s5 =	sshrl.u32 s4, $0x2  }
0x5: {  	s3 =	sshll.u32 s4, $0x1;
	s12 =	sand.u32 $0x1, s2;
	s13 =	smul.u32 $0x1800, s5  }
0x6: {  	s2 =	simm.s32 $0x0;
	s3 =	sand.u32 $0x6, s3;
	s7 =	smul.u32 $0x6000, s5  }
0x7: {  	[smem:$0x7FF] =	sst s2;
	s4 =	ssub.s32 $0x2, s12;
	s11 =	smul.u32 $0x1060, s5  }
0x8: {  	s6 =	sor.u32 s12, s3;
	_ =	strace $0x80000047;
	s8 =	sshrl.u32 s4, $0x1  }
0x9: {  	s12 =	smul.u32 $0x106000, s5;
	s9 =	sshll.u32 s6, $0x8;
	s7 =	sshrl.u32 s7, $0x3  }
0xa: {  	v0 =	vlaneseq.u32;
	s14 =	ssub.s32 s4, s8;
	s4 =	sshll.u32 s5, $0x14;
	s8 =	smul.u32 $0x830000, s5  }
0xb: {  	v1 =	vimm.s32 $0xB80;
	vm0 =	vcmask $0x300;
	v2 =	vimm.s32 $0x1B80;
	s5 =	sshll.u32 s5, $0x11;
	s24 =	sor.u32 s6, s11;
	s7 =	sadd.s32 s7, s1  }
0xc: {  	vm1 =	vcmask $0x704;
	v1 =	vsel vm0, $0x0, v1;
	v2 =	vsel vm0, $0x1000, v2;
	s6 =	simm.s32 $0x0;
	s3 =	sor.u32 s13, s9;
	s15 =	sadd.s32 $0x1000, s7  }
0xd: {  	vm15 =	vcmask $0xB08;
	v1 =	vsel vm1, $0x80, v1;
	v2 =	vsel vm1, $0x1080, v2;
	s19 =	sadd.s32 s0, s12;
	s17 =	sadd.s32 $0x1400, s7;
	[dreg:$0x3] =	wrdreg s15  }
0xe: {  	vm4 =	vcmask $0xF0C;
	v1 =	vsel vm15, $0x100, v1;
	v2 =	vsel vm15, $0x1100, v2;
	s3 =	sshrl.u32 s3, $0x3;
	s7 =	sadd.s32 $0x1800, s7;
	[dreg:$0x5] =	wrdreg s17  }
0xf: {  	vm5 =	vcmask $0x1310;
	v1 =	vsel vm4, $0x180, v1;
	v2 =	vsel vm4, $0x1180, v2;
	s10 =	sadd.s32 s3, s1;
	[dreg:$0x7] =	wrdreg s7;
	s7 =	sadd.s32 s9, s19  }
0x10: {  	vm6 =	vcmask $0x1714;
	v1 =	vsel vm5, $0x200, v1;
	v2 =	vsel vm5, $0x1200, v2;
	s3 =	sadd.s32 $0x4000, s1;
	s1 =	smax.u32 s14, $0x1;
	[dreg:$0x9] =	wrdreg s7  }
0x11: {  	vm7 =	vcmask $0x1B18;
	s12 =	sadd.s32 s0, s9;
	v1 =	vsel vm6, $0x280, v1;
	v2 =	vsel vm6, $0x1280, v2;
	s16 =	sadd.s32 $0x400, s10;
	[dreg:$0xe] =	wrdreg s1  }
0x12: {  	vm8 =	vcmask $0x1F1C;
	s20 =	sshrl.u32 s8, $0x3;
	v1 =	vsel vm7, $0x300, v1;
	v2 =	vsel vm7, $0x1300, v2;
	s13 =	sadd.s32 $0x500, s10;
	[dreg:$0x4] =	wrdreg s16  }
0x13: {  	vm9 =	vcmask $0x2320;
	s21 =	sadd.s32 s12, s20;
	s18 =	sadd.s32 $0x600, s10;
	v1 =	vsel vm8, $0x380, v1;
	v2 =	vsel vm8, $0x1380, v2;
	[dreg:$0x6] =	wrdreg s13  }
0x14: {  	vm10 =	vcmask $0x2724;
	s22 =	sadd.s32 $0x2000, s21;
	s23 =	sadd.s32 s3, s5;
	[dreg:$0x8] =	wrdreg s18;
	v1 =	vsel vm9, $0x800, v1;
	v2 =	vsel vm9, $0x1800, v2  }
0x15: {  	vm11 =	vcmask $0x2B28;
	s25 =	sadd.s32 $0x4000, s21;
	s5 =	sshll.u32 s24, $0x8;
	[dreg:$0xa] =	wrdreg s22;
	v1 =	vsel vm10, $0x880, v1;
	v2 =	vsel vm10, $0x1880, v2  }
0x16: {  	vm12 =	vcmask $0x2F2C;
	s21 =	simm.s32 $0x5;
	s1 =	simm.s32 $0x1;
	[dreg:$0xc] =	wrdreg s25;
	v1 =	vsel vm11, $0x900, v1;
	v2 =	vsel vm11, $0x1900, v2  }
0x17: {  	vm13 =	vcmask $0x3330;
	s24 =	simm.s32 $0x10380;
	[dreg:$0xb] =	wrdreg s23;
	s26 =	sadd.s32 $0x400, s23;
	v1 =	vsel vm12, $0x980, v1;
	v2 =	vsel vm12, $0x1980, v2  }
0x18: {  	vm14 =	vcmask $0x3734;
	s18 =	sor.u32 $0x4000, s4;
	s0 =	sadd.s32 s0, s5;
	s22 =	simm.s32 $0x6000;
	v1 =	vsel vm13, $0xA00, v1;
	v2 =	vsel vm13, $0x1A00, v2  }
0x19: {  	vm15 =	vcmask $0x3B38;
	s25 =	simm.s32 $0x4000;
	s23 =	simm.s32 $0x2;
	s5 =	simm.s32 $0x4;
	v3 =	vsel vm14, $0xA80, v1;
	v4 =	vsel vm14, $0x1A80, v2  }
0x1a: {  	[dreg:$0xd] =	wrdreg s26;
	s20 =	sadd.s32 $0x8000, s0;
	s0 =	simm.s32 $0xC380;
	v1 =	vor.u32 $0x10, v0;
	v2 =	vsel vm15, $0xB00, v3;
	v3 =	vsel vm15, $0x1B00, v4  }
.LBB2_1:
0x1b: {  	s7 =	rddreg [dreg:$0x3]  }
0x1c: {  	[tilespmem:s2], [sflag:$0x5] =	stream.linear.gather [hbm4b:s7+s2], $0x2000, $0x38;
	[tilespmem:$0x12380] =	vst v63  }
0x1d: {  	_ =	swait.ge [sflag:s21], $0x2000  }
0x1e: {  	[sflag:s21] =	ssyncset.done $0x0  }
0x1f: {  	s13 =	rddreg [dreg:$0x4];
	[sflag:s21] =	ssyncadd.s32 $0xFFFFE000  }
0x20: {  	[tilespmem:s22], [sflag:$0x5] =	stream.linear.gather [hbm4b:s13+s2], $0x100, $0x38;
	[tilespmem:$0x12380] =	vst v63  }
0x21: {  	_ =	swait.ge [sflag:s21], $0x100  }
0x22: {  	[sflag:s21] =	ssyncset.done $0x0  }
0x23: {  	s9 =	simm.s32 $0x2000;
	s14 =	rddreg [dreg:$0x5];
	[sflag:s21] =	ssyncadd.s32 $0xFFFFFF00  }
0x24: {  	[tilespmem:s9], [sflag:$0x5] =	stream.linear.gather [hbm4b:s14+s2], $0x2000, $0x38;
	[tilespmem:$0x12380] =	vst v63  }
0x25: {  	_ =	swait.ge [sflag:s21], $0x2000  }
0x26: {  	[sflag:s21] =	ssyncset.done $0x0  }
0x27: {  	s16 =	simm.s32 $0x6100;
	s15 =	rddreg [dreg:$0x6];
	[sflag:s21] =	ssyncadd.s32 $0xFFFFE000  }
0x28: {  	[tilespmem:s16], [sflag:$0x5] =	stream.linear.gather [hbm4b:s15+s2], $0x100, $0x38;
	[tilespmem:$0x12380] =	vst v63  }
0x29: {  	_ =	swait.ge [sflag:s21], $0x100  }
0x2a: {  	[sflag:s21] =	ssyncset.done $0x0  }
0x2b: {  	s17 =	rddreg [dreg:$0x7];
	[sflag:s21] =	ssyncadd.s32 $0xFFFFFF00  }
0x2c: {  	[tilespmem:s25], [sflag:$0x5] =	stream.linear.gather [hbm4b:s17+s2], $0x2000, $0x38;
	[tilespmem:$0x12380] =	vst v63  }
0x2d: {  	_ =	swait.ge [sflag:s21], $0x2000  }
0x2e: {  	[sflag:s21] =	ssyncset.done $0x0  }
0x2f: {  	s26 =	simm.s32 $0x6200;
	s19 =	rddreg [dreg:$0x8];
	[sflag:s21] =	ssyncadd.s32 $0xFFFFE000  }
0x30: {  	[tilespmem:s26], [sflag:$0x5] =	stream.linear.gather [hbm4b:s19+s2], $0x100, $0x38;
	[tilespmem:$0x12380] =	vst v63  }
0x31: {  	_ =	swait.ge [sflag:s21], $0x100  }
0x32: {  	[sflag:s21] =	ssyncset.done $0x0  }
0x33: {  	s7 =	simm.s32 $0x0;
	[sflag:s21] =	ssyncadd.s32 $0xFFFFFF00  }
.LBB2_2:
0x34: {  	s10 =	simm.s32 $0x0  }
0x35: {  	v4 =	vmov s7;
	v7 =	vld [tilespmem:s10+$0x4010]  }
0x36: {  	v5 =	vor.u32 $0x100, v4;
	v11 =	vld [tilespmem:s10+$0x30]  }
0x37: {  	v6 =	vor.u32 $0x200, v4;
	v12 =	vld [tilespmem:s10+$0x20]  }
0x38: {  	v14 =	vld [tilespmem:s10+$0x10]  }
0x39: {  	v15 =	vld [tilespmem:s10+$0x0]  }
0x3a: {  	v9 =	vld.idx.msk [tilespmem:v4+s22+$0x0], $0xffff  }
0x3b: {  	v8 =	vld.idx.msk [tilespmem:v5+s22+$0x0], $0xffff  }
0x3c: {  	v10 =	vld.idx.msk [tilespmem:v6+s22+$0x0], $0xffff  }
0x3d: {  	v5 =	vld [tilespmem:s10+$0x4030]  }
0x3e: {  	s11 =	simm.s32 $0x0;
	v6 =	vld [tilespmem:s10+$0x4020]  }
0x3f: {  	v13 =	vld [tilespmem:s10+$0x2020];
	s13 =	sand.u32 $0x1FC0, s11  }
0x40: {  	v16 =	vld [tilespmem:s13+$0x2000]  }
0x41: {  	s9 =	sshll.u32 s7, $0x5;
	v18 =	vld [tilespmem:s10+$0x2010];
	v11 =	vsub.f32 v9, v11;
	v12 =	vsub.f32 v9, v12  }
0x42: {  	s14 =	sadd.s32 $0x6300, s9;
	v23 =	vor.u32 s11, v0;
	v21 =	vld [tilespmem:s13+$0x4000];
	v14 =	vsub.f32 v9, v14;
	v15 =	vsub.f32 v9, v15  }
0x43: {  	s26 =	simm.s32 $0x10;
	v22 =	vld [tilespmem:s10+$0x2030];
	v4 =	vmov s14;
	v17 =	vsub.f32 v10, v5;
	v19 =	vsub.f32 v10, v6  }
0x44: {  	s13 =	simm.s32 $0x20;
	v20 =	vsub.f32 v10, v7;
	v6 =	vor.u32 s26, v0;
	v13 =	vsub.f32 v8, v13  }
0x45: {  	s15 =	simm.s32 $0x40;
	v7 =	vor.u32 s13, v0;
	v16 =	vsub.f32 v8, v16;
	v12 =	vmul.f32 v12, v12  }
0x46: {  	v24 =	vld [tilespmem:s15+$0x4030];
	v18 =	vsub.f32 v8, v18;
	v15 =	vmul.f32 v15, v15;
	v14 =	vmul.f32 v14, v14  }
0x47: {  	s17 =	simm.s32 $0x40;
	v21 =	vsub.f32 v10, v21;
	v11 =	vmul.f32 v11, v11;
	v16 =	vmul.f32 v16, v16  }
0x48: {  	v25 =	vld [tilespmem:s15+$0x4020];
	s19 =	sand.u32 $0x1FC0, s17;
	v22 =	vsub.f32 v8, v22;
	v18 =	vmul.f32 v18, v18;
	v13 =	vmul.f32 v13, v13  }
0x49: {  	v26 =	vld [tilespmem:s19+$0x4000];
	v20 =	vmul.f32 v20, v20;
	v15 =	vadd.f32 v16, v15;
	v16 =	vmul.f32 v21, v21  }
0x4a: {  	v21 =	vld [tilespmem:s15+$0x4010];
	v14 =	vadd.f32 v18, v14;
	v18 =	vmul.f32 v22, v22;
	v13 =	vadd.f32 v13, v12  }
0x4b: {  	v12 =	vsub.f32 v10, v24;
	v24 =	vld [tilespmem:s19+$0x2000];
	v15 =	vadd.f32 v16, v15;
	v16 =	vmul.f32 v19, v19  }
0x4c: {  	s14 =	simm.s32 $0x30;
	v17 =	vmul.f32 v17, v17;
	v22 =	vld [tilespmem:s15+$0x30];
	v14 =	vadd.f32 v20, v14;
	v11 =	vadd.f32 v18, v11  }
0x4d: {  	v5 =	vor.u32 s14, v0;
	v19 =	vld [tilespmem:s15+$0x20];
	vm3 =	vlt.f32 v15, $9.999999770e-03;
	v13 =	vadd.f32 v16, v13  }
0x4e: {  	v18 =	vld [tilespmem:s15+$0x2020];
	vm0 =	vlt.f32 v14, $9.999999770e-03;
	v11 =	vadd.f32 v17, v11;
	v16 =	vsub.f32 v10, v25  }
0x4f: {  	v15 =	vld [tilespmem:s15+$0x10];
	v20 =	vmpcnt.ones.xlane vm3;
	v17 =	vmpcnt.ones.xlane vm0;
	v21 =	vsub.f32 v10, v21  }
0x50: {  	v14 =	vld [tilespmem:s15+$0x0];
	v28 =	vsub.f32 v8, v24;
	vm1 =	vlt.f32 v13, $9.999999770e-03;
	vm2 =	vlt.f32 v11, $9.999999770e-03  }
0x51: {  	v11 =	vor.u32 s17, v0;
	v13 =	vmpcnt.ones.xlane vm1;
	(v2sf) =	vpush v20, $0x0;
	v20 =	vld [tilespmem:s15+$0x2010]  }
0x52: {  	v25 =	vmpcnt.ones.xlane vm2;
	v27 =	vsub.f32 v9, v19;
	(v2sf) =	vpush v17, $0x0  }
0x53: {  	s16 =	simm.s32 $0x50;
	v19 =	vsub.f32 v8, v18;
	v18 =	vmul.f32 v21, v21;
	v21 =	vld [tilespmem:s15+$0x2030];
	(v2sf) =	vpush v13, $0x0  }
0x54: {  	s26 =	simm.s32 $0x60;
	v17 =	vsub.f32 v9, v22;
	v13 =	vor.u32 s16, v0;
	(v2sf) =	vpush v25, $0x0  }
0x55: {  	v22 =	vsub.f32 v9, v15;
	v15 =	vor.u32 s26, v0;
	[tilespmem:v4+s10+$0x0 ss:$0x1] =	vst.idx.msk vm3, v23;
	v25 =	vsub.f32 v9, v14  }
0x56: {  	s11 =	simm.s32 $0x70;
	v23 =	vsub.f32 v10, v26;
	v26 =	vmul.f32 v28, v28;
	v24 =	vsub.f32 v8, v20  }
0x57: {  	s13 =	simm.s32 $0x4;
	s14 =	simm.s32 $0x80;
	v14 =	vor.u32 s11, v0;
	v20 =	vmul.f32 v27, v27;
	v25 =	vmul.f32 v25, v25  }
.LBB2_3:
0x58: {  	v22 =	vmul.f32 v22, v22;
	v24 =	vmul.f32 v24, v24;
	v21 =	vsub.f32 v8, v21  }
0x59: {  	v27 =	vld [tilespmem:s14+$0x4030];
	vm5 =	vmmov vm0;
	vm4 =	vmmov vm1;
	vm3 =	vmmov vm2  }
0x5a: {  	v19 =	vmul.f32 v19, v19;
	v28 =	vld [tilespmem:s14+$0x4020];
	v25 =	vadd.f32 v26, v25;
	v23 =	vmul.f32 v23, v23  }
0x5b: {  	v17 =	vmul.f32 v17, v17;
	v26 =	vld [tilespmem:s14+$0x4010];
	v22 =	vadd.f32 v24, v22;
	v21 =	vmul.f32 v21, v21  }
0x5c: {  	v16 =	vmul.f32 v16, v16;
	v19 =	vadd.f32 v19, v20;
	v24 =	vld [tilespmem:s14+$0x30];
	v23 =	vadd.f32 v23, v25  }
0x5d: {  	v20 =	vld [tilespmem:s14+$0x20];
	v18 =	vadd.f32 v18, v22;
	v17 =	vadd.f32 v21, v17;
	v21 =	vmul.f32 v12, v12  }
0x5e: {  	s11 =	sadd.s32 $0x40, s11;
	v19 =	vadd.f32 v16, v19;
	v25 =	vld [tilespmem:s14+$0x2020];
	v12 =	vsub.f32 v10, v27;
	vm6 =	vlt.f32 v23, $9.999999770e-03  }
0x5f: {  	s13 =	sadd.s32 $0x4, s13;
	s16 =	sadd.s32 $0xFFFFFFD0, s11;
	s17 =	sadd.s32 $0xFFFFFFE0, s11;
	v22 =	vld [tilespmem:s14+$0x10];
	v23 =	vmpcnt.ones.xlane vm6;
	vm0 =	vlt.f32 v18, $9.999999770e-03;
	v17 =	vadd.f32 v21, v17  }
0x60: {  	p0 =	slt.u32 s13, $0x1FC;
	s19 =	sand.u32 $0x1FC0, s16;
	v16 =	vsub.f32 v10, v28;
	vm1 =	vlt.f32 v19, $9.999999770e-03;
	v18 =	vld [tilespmem:s14+$0x0];
	v21 =	vmpcnt.ones.xlane vm0;
	s15 =	spop (v2sf)  }
0x61: {  	s26 =	sadd.s32 $0xFFFFFFF0, s11;
	v19 =	vmpcnt.ones.xlane vm1;
	v27 =	vld [tilespmem:s19+$0x2000];
	vm2 =	vlt.f32 v17, $9.999999770e-03;
	(v2sf) =	vpush v23, $0x0;
	s10 =	sadd.s32 s10, s15;
	s15 =	spop (v2sf)  }
0x62: {  	v26 =	vsub.f32 v10, v26;
	v23 =	vld [tilespmem:s14+$0x2010];
	v28 =	vmpcnt.ones.xlane vm2;
	(v2sf) =	vpush v21, $0x0;
	[tilespmem:v4+s10+$0x0 ss:$0x1] =	vst.idx.msk vm5, v6;
	s10 =	sadd.s32 s10, s15;
	s15 =	spop (v2sf);
	v6 =	vmovc v13  }
0x63: {  	v30 =	vor.u32 s16, v0;
	v17 =	vsub.f32 v9, v24;
	v29 =	vld [tilespmem:s19+$0x4000];
	(v2sf) =	vpush v19, $0x0;
	[tilespmem:v4+s10+$0x0 ss:$0x1] =	vst.idx.msk vm4, v7;
	s10 =	sadd.s32 s10, s15;
	s15 =	spop (v2sf);
	v7 =	vmovc v15  }
.Ltmp0:
0x64: {  	v13 =	vor.u32 s17, v0;
	v20 =	vsub.f32 v9, v20;
	v21 =	vld [tilespmem:s14+$0x2030];
	(v2sf) =	vpush v28, $0x0;
	[tilespmem:v4+s10+$0x0 ss:$0x1] =	vst.idx.msk vm3, v5;
	s10 =	sadd.s32 s10, s15;
	v5 =	vmovc v14;
	(pc) =	sbr.rel @p0 .LBB2_3-.Ltmp0, $4  }
0x65: {  	v19 =	vsub.f32 v8, v25;
	v15 =	vor.u32 s26, v0;
	v22 =	vsub.f32 v9, v22;
	[tilespmem:v4+s10+$0x0 ss:$0x1] =	vst.idx.msk vm6, v11  }
0x66: {  	v14 =	vor.u32 s11, v0;
	v25 =	vsub.f32 v9, v18;
	v11 =	vmovc v30;
	v27 =	vsub.f32 v8, v27  }
0x67: {  	v20 =	vmul.f32 v20, v20;
	v18 =	vmul.f32 v26, v26;
	v24 =	vsub.f32 v8, v23  }
0x68: {  	s14 =	sadd.s32 $0x40, s14;
	v25 =	vmul.f32 v25, v25;
	v23 =	vsub.f32 v10, v29;
	v26 =	vmul.f32 v27, v27  }
0x69: {  	v9 =	vmul.f32 v22, v22;
	v10 =	vmul.f32 v24, v24  }
0x6a: {  	v19 =	vmul.f32 v19, v19;
	v54 =	vadd.f32 v26, v25;
	v23 =	vmul.f32 v23, v23  }
0x6b: {  	v9 =	vadd.f32 v10, v9  }
0x6c: {  	v16 =	vmul.f32 v16, v16;
	v19 =	vadd.f32 v19, v20;
	v55 =	vadd.f32 v23, v54  }
0x6d: {  	v8 =	vsub.f32 v8, v21;
	v9 =	vadd.f32 v18, v9  }
0x6e: {  	v17 =	vmul.f32 v17, v17;
	v56 =	vadd.f32 v16, v19;
	vm3 =	vlt.f32 v55, $9.999999770e-03  }
0x6f: {  	v8 =	vmul.f32 v8, v8;
	v57 =	vmpcnt.ones.xlane vm3;
	vm4 =	vlt.f32 v9, $9.999999770e-03  }
0x70: {  	v58 =	vmul.f32 v12, v12;
	vm5 =	vlt.f32 v56, $9.999999770e-03;
	v9 =	vmpcnt.ones.xlane vm4  }
0x71: {  	v8 =	vadd.f32 v8, v17;
	v59 =	vmpcnt.ones.xlane vm5;
	(v2sf) =	vpush v57, $0x0  }
0x72: {  	(v2sf) =	vpush v9, $0x0  }
0x73: {  	v8 =	vadd.f32 v58, v8;
	(v2sf) =	vpush v59, $0x0;
	_ =	sdelay $0x1  }
0x74: {  	vm6 =	vlt.f32 v8, $9.999999770e-03  }
0x75: {  	v8 =	vmpcnt.ones.xlane vm6;
	_ =	sdelay $0x1  }
0x76: {  	vm0 =	vmmov vm0;
	(v2sf) =	vpush v8, $0x0  }
0x77: {  	vm1 =	vmmov vm1  }
0x78: {  	vm2 =	vmmov vm2;
	_ =	sdelay $0x1  }
0x79: {  	s11 =	spop (v2sf);
	vm4 =	vmmov vm4  }
0x7a: {  	v60 =	vmov s9;
	vm5 =	vmmov vm5;
	s10 =	sadd.s32 s10, s11;
	s13 =	spop (v2sf)  }
0x7b: {  	v61 =	vand.u32 $0xFFFFFFE0, v60;
	[tilespmem:v4+s10+$0x0 ss:$0x1] =	vst.idx.msk vm0, v6;
	s10 =	sadd.s32 s10, s13;
	s14 =	spop (v2sf)  }
0x7c: {  	v6 =	vbroadcast v61, $0x0;
	[tilespmem:v4+s10+$0x0 ss:$0x1] =	vst.idx.msk vm1, v7;
	s10 =	sadd.s32 s10, s14;
	s15 =	spop (v2sf)  }
0x7d: {  	[tilespmem:v4+s10+$0x0 ss:$0x1] =	vst.idx.msk vm2, v5;
	s10 =	sadd.s32 s10, s15;
	s16 =	spop (v2sf)  }
0x7e: {  	[tilespmem:v4+s10+$0x0 ss:$0x1] =	vst.idx.msk vm3, v11;
	s10 =	sadd.s32 s10, s16;
	s17 =	spop (v2sf)  }
0x7f: {  	[tilespmem:v4+s10+$0x0 ss:$0x1] =	vst.idx.msk vm4, v13;
	s10 =	sadd.s32 s10, s17;
	s19 =	spop (v2sf)  }
0x80: {  	[tilespmem:v4+s10+$0x0 ss:$0x1] =	vst.idx.msk vm5, v15;
	s10 =	sadd.s32 s10, s19  }
0x81: {  	[tilespmem:v4+s10+$0x0 ss:$0x1] =	vst.idx.msk vm6, v14  }
0x82: {  	v4 =	vld.idx.msk [tilespmem:v6+s28+$0x0], $0xffff;
	_ =	sdelay $0x1  }
0x83: {  	s26 =	spop (v2sf)  }
0x84: {  	s10 =	sadd.s32 s10, s26;
	v5 =	vld [tilespmem:s9+$0x6300]  }
0x85: {  	s7 =	sadd.s32 $0x1, s7;
	v62 =	vld [tilespmem:s9+$0x6310];
	p0 =	sgt.s32 s10, $0x0  }
0x86: {  	v4 =	vpsel !p0, $0x0, v4;
	p0 =	sne.s32 s7, $0x100  }
.Ltmp1:
0x87: {  	v63 =	vmov s10;
	(pc) =	sbr.rel @p0 .LBB2_2-.Ltmp1, $4  }
0x88: {  	vm0 =	vgt.s32 v63, v0  }
0x89: {  	vm15 =	vgt.s32 v63, v1;
	v5 =	vsel vm0, v5, v4  }
0x8a: {  	v4 =	vsel vm15, v62, v4;
	[tilespmem:s9+$0x6300] =	vst v5  }
0x8b: {  	vm14 =	vmmov vm6;
	[tilespmem:s9+$0x6310] =	vst v4  }
0x8c: {  	s9 =	simm.s32 $0x6320  }
0x8d: {  	v4 =	vld [tilespmem:s9+$0x0]  }
0x8e: {  	s7 =	simm.s32 $0x1  }
0x8f: {  	v5 =	vmov s7;
	_ =	sdelay $0x2  }
0x90: {  	s10 =	simm.s32 $0x6360;
	v6 =	vld [tilespmem:s9+$0xFFFFFFE0]  }
0x91: {  	v10 =	vld [tilespmem:s10+$0x0]  }
0x92: {  	s13 =	simm.s32 $0x0;
	v8 =	vshll.u32 v5, $0x3;
	v12 =	vld.idx.msk [tilespmem:v5+s22+$0x0], $0xffff  }
0x93: {  	v7 =	vmov s13;
	v8 =	vand.u32 $0x400, v8;
	v5 =	vand.u32 $0x7F, v5;
	v4 =	vld.idx.msk [tilespmem:v4+s2+$0x0], $0xffff  }
0x94: {  	v9 =	vor.u32 v5, v8  }
0x95: {  	v14 =	vld [tilespmem:s10+$0xFFFFFFE0];
	v5 =	vor.u32 v2, v9  }
0x96: {  	s15 =	simm.s32 $0x3;
	s7 =	simm.s32 $0x63A0  }
0x97: {  	v11 =	vmov s15;
	v18 =	vld [tilespmem:s7+$0x0]  }
0x98: {  	v13 =	vshll.u32 v7, $0x3;
	v19 =	vld.idx.msk [tilespmem:v7+s22+$0x0], $0xffff;
	v15 =	vsub.f32 v4, v12  }
0x99: {  	v6 =	vld.idx.msk [tilespmem:v6+s2+$0x0], $0xffff;
	v4 =	vand.u32 $0x7E, v7;
	v7 =	vand.u32 $0x400, v13  }
0x9a: {  	s14 =	simm.s32 $0x2;
	v10 =	vld.idx.msk [tilespmem:v10+s2+$0x0], $0xffff;
	v16 =	vor.u32 v4, v7;
	[tilespmem:v5+s29+$0x0] =	vst.idx.msk $0xffff, v15  }
0x9b: {  	v8 =	vmov s14;
	v7 =	vor.u32 v2, v16;
	v15 =	vshll.u32 v11, $0x3;
	v13 =	vld [tilespmem:s9+$0x10]  }
0x9c: {  	s16 =	simm.s32 $0x4;
	v5 =	vld.idx.msk [tilespmem:v11+s22+$0x0], $0xffff;
	v11 =	vand.u32 $0x7F, v11;
	v15 =	vand.u32 $0x400, v15  }
0x9d: {  	v17 =	vmov s16;
	v14 =	vld.idx.msk [tilespmem:v14+s2+$0x0], $0xffff;
	v20 =	vor.u32 v11, v15  }
0x9e: {  	v6 =	vsub.f32 v6, v19;
	v11 =	vld [tilespmem:s7+$0xFFFFFFE0];
	v21 =	vor.u32 v2, v20  }
0x9f: {  	s11 =	simm.s32 $0x5;
	v18 =	vld.idx.msk [tilespmem:v18+s2+$0x0], $0xffff  }
0xa0: {  	v4 =	vld.idx.msk [tilespmem:v8+s22+$0x0], $0xffff;
	v15 =	vmov s11;
	[tilespmem:v7+s29+$0x0] =	vst.idx.msk $0xffff, v6  }
0xa1: {  	v6 =	vshll.u32 v8, $0x3;
	v10 =	vsub.f32 v10, v5;
	v22 =	vld [tilespmem:s9+$0xFFFFFFF0]  }
0xa2: {  	v7 =	vand.u32 $0x7E, v8;
	v8 =	vand.u32 $0x400, v6;
	v6 =	vld.idx.msk [tilespmem:v17+s22+$0x0], $0xffff  }
0xa3: {  	v8 =	vor.u32 v7, v8;
	[tilespmem:v21+s29+$0x0] =	vst.idx.msk $0xffff, v10;
	v23 =	vld.idx.msk [tilespmem:v13+s2+$0x0], $0xffff  }
0xa4: {  	s17 =	simm.s32 $0x6;
	v13 =	vor.u32 v2, v8;
	v21 =	vld [tilespmem:s10+$0x10]  }
0xa5: {  	v24 =	vmov s17;
	v7 =	vld.idx.msk [tilespmem:v15+s22+$0x0], $0xffff;
	v10 =	vshll.u32 v15, $0x3  }
0xa6: {  	s9 =	simm.s32 $0x63E0;
	v10 =	vand.u32 $0x400, v10;
	v25 =	vld.idx.msk [tilespmem:v11+s2+$0x0], $0xffff;
	v11 =	vand.u32 $0x7F, v15  }
0xa7: {  	s19 =	simm.s32 $0x7;
	v14 =	vsub.f32 v14, v4;
	v26 =	vld [tilespmem:s9+$0x0];
	v10 =	vor.u32 v11, v10  }
0xa8: {  	v28 =	vmov s19;
	v27 =	vld [tilespmem:s9+$0xFFFFFFE0];
	v11 =	vshll.u32 v17, $0x3;
	v15 =	vor.u32 v2, v10  }
0xa9: {  	v11 =	vand.u32 $0x400, v11;
	[tilespmem:v13+s29+$0x0] =	vst.idx.msk $0xffff, v14;
	v13 =	vand.u32 $0x7E, v17;
	v29 =	vld.idx.msk [tilespmem:v22+s2+$0x0], $0xffff  }
0xaa: {  	v17 =	vor.u32 v3, v9;
	v9 =	vld.idx.msk [tilespmem:v24+s22+$0x0], $0xffff;
	v11 =	vor.u32 v13, v11  }
0xab: {  	v18 =	vsub.f32 v18, v7;
	v14 =	vld [tilespmem:s10+$0xFFFFFFF0];
	v22 =	vor.u32 v2, v11  }
0xac: {  	v30 =	vand.u32 $0x7E, v24;
	v13 =	vld.idx.msk [tilespmem:v21+s2+$0x0], $0xffff  }
0xad: {  	s26 =	simm.s32 $0x8;
	v21 =	vsub.f32 v23, v12;
	v12 =	vld.idx.msk [tilespmem:v28+s22+$0x0], $0xffff;
	[tilespmem:v15+s29+$0x0] =	vst.idx.msk $0xffff, v18;
	v15 =	vor.u32 v3, v16  }
0xae: {  	v23 =	vsub.f32 v25, v6;
	v18 =	vmov s26;
	v25 =	vshll.u32 v24, $0x3;
	v16 =	vld [tilespmem:s7+$0x10]  }
0xaf: {  	v24 =	vshll.u32 v28, $0x3;
	v25 =	vand.u32 $0x400, v25;
	[tilespmem:v17+s29+$0x0] =	vst.idx.msk $0xffff, v21;
	v21 =	vld.idx.msk [tilespmem:v26+s2+$0x0], $0xffff;
	v17 =	vor.u32 v3, v20  }
0xb0: {  	s10 =	simm.s32 $0x6420;
	v26 =	vand.u32 $0x7F, v28;
	[tilespmem:v22+s29+$0x0] =	vst.idx.msk $0xffff, v23;
	v22 =	vld.idx.msk [tilespmem:v27+s2+$0x0], $0xffff;
	v27 =	vand.u32 $0x400, v24;
	v23 =	vsub.f32 v29, v19  }
0xb1: {  	s13 =	simm.s32 $0x9;
	s11 =	simm.s32 $0xA;
	v20 =	vor.u32 v30, v25;
	v24 =	vld [tilespmem:s10+$0x0];
	v19 =	vor.u32 v26, v27  }
.LBB2_6:
0xb2: {  	p0 =	slt.u32 s11, $0xFE;
	v25 =	vld [tilespmem:s10+$0xFFFFFFE0];
	v26 =	vmov s13;
	v27 =	vor.u32 v2, v19;
	v13 =	vsub.f32 v13, v5;
	[tilespmem:v15+s29+$0x0] =	vst.idx.msk $0xffff, v23;
	v5 =	vmovc v7  }
0xb3: {  	v23 =	vor.u32 v2, v20;
	v7 =	vmov v12;
	v28 =	vld [tilespmem:s7+$0xFFFFFFF0];
	s7 =	smov.u32 s9;
	s9 =	smov.u32 s10  }
0xb4: {  	v29 =	vld.idx.msk [tilespmem:v14+s2+$0x0], $0xffff;
	[tilespmem:v17+s29+$0x0] =	vst.idx.msk $0xffff, v13  }
0xb5: {  	v31 =	vsub.f32 v21, v7;
	v30 =	vld.idx.msk [tilespmem:v18+s22+$0x0], $0xffff  }
0xb6: {  	v17 =	vsub.f32 v22, v9;
	v13 =	vld.idx.msk [tilespmem:v16+s2+$0x0], $0xffff  }
.Ltmp2:
0xb7: {  	v15 =	vor.u32 v3, v8;
	v8 =	vmov v11;
	v11 =	vmov v20;
	v12 =	vld.idx.msk [tilespmem:v26+s22+$0x0], $0xffff;
	[tilespmem:v27+s29+$0x0] =	vst.idx.msk $0xffff, v31;
	(pc) =	sbr.rel @p0 .LBB2_6-.Ltmp2, $4  }
0xb8: {  	v20 =	vand.u32 $0x7E, v18;
	v21 =	vshll.u32 v18, $0x3;
	v18 =	vmov s11;
	[tilespmem:v23+s29+$0x0] =	vst.idx.msk $0xffff, v17;
	v16 =	vld [tilespmem:s7+$0x10];
	v14 =	vmovc v28  }
0xb9: {  	v27 =	vand.u32 $0x400, v21;
	v23 =	vshll.u32 v26, $0x3;
	v17 =	vor.u32 v3, v10;
	v10 =	vmovc v19;
	v21 =	vld.idx.msk [tilespmem:v24+s2+$0x0], $0xffff  }
0xba: {  	s10 =	sadd.s32 $0x40, s10;
	v19 =	vand.u32 $0x7F, v26;
	v22 =	vld.idx.msk [tilespmem:v25+s2+$0x0], $0xffff;
	v25 =	vand.u32 $0x400, v23;
	v23 =	vsub.f32 v29, v4;
	v4 =	vmovc v6;
	v6 =	vmovc v9  }
0xbb: {  	s13 =	sadd.s32 $0x1, s11;
	s11 =	sadd.s32 $0x2, s11;
	v20 =	vor.u32 v20, v27;
	v9 =	vmov v30;
	v24 =	vld [tilespmem:s10+$0x0];
	v19 =	vor.u32 v19, v25  }
0xbc: {  	_ =	sdelay $0x1  }
0xbd: {  	v25 =	vld [tilespmem:s10+$0xFFFFFFE0];
	_ =	sdelay $0x1  }
0xbe: {  	v26 =	vmov s13;
	_ =	sdelay $0x2  }
0xbf: {  	v27 =	vld.idx.msk [tilespmem:v18+s22+$0x0], $0xffff  }
0xc0: {  	v28 =	vor.u32 v2, v19;
	v29 =	vor.u32 v2, v20;
	v31 =	vshll.u32 v26, $0x3;
	v24 =	vld.idx.msk [tilespmem:v24+s2+$0x0], $0xffff  }
0xc1: {  	v32 =	vshll.u32 v18, $0x3;
	v31 =	vand.u32 $0x400, v31;
	v30 =	vld.idx.msk [tilespmem:v26+s22+$0x0], $0xffff;
	v26 =	vand.u32 $0x7F, v26  }
0xc2: {  	v18 =	vand.u32 $0x7E, v18;
	v32 =	vand.u32 $0x400, v32;
	v26 =	vor.u32 v26, v31;
	v25 =	vld.idx.msk [tilespmem:v25+s2+$0x0], $0xffff  }
0xc3: {  	v18 =	vor.u32 v18, v32;
	v31 =	vor.u32 v2, v26  }
0xc4: {  	v21 =	vsub.f32 v21, v12;
	v32 =	vor.u32 v2, v18  }
0xc5: {  	v22 =	vsub.f32 v22, v9  }
0xc6: {  	[tilespmem:v28+s29+$0x0] =	vst.idx.msk $0xffff, v21;
	v21 =	vld [tilespmem:s7+$0xFFFFFFF0];
	v24 =	vsub.f32 v24, v30  }
0xc7: {  	[tilespmem:v29+s29+$0x0] =	vst.idx.msk $0xffff, v22;
	v22 =	vld [tilespmem:s9+$0x10];
	v25 =	vsub.f32 v25, v27  }
0xc8: {  	v28 =	vld [tilespmem:s9+$0xFFFFFFF0];
	[tilespmem:v31+s29+$0x0] =	vst.idx.msk $0xffff, v24  }
0xc9: {  	v24 =	vld [tilespmem:s10+$0x10];
	[tilespmem:v32+s29+$0x0] =	vst.idx.msk $0xffff, v25  }
0xca: {  	v25 =	vld [tilespmem:s10+$0xFFFFFFF0];
	_ =	sdelay $0x1  }
0xcb: {  	v14 =	vld.idx.msk [tilespmem:v14+s2+$0x0], $0xffff  }
0xcc: {  	v16 =	vld.idx.msk [tilespmem:v16+s2+$0x0], $0xffff  }
0xcd: {  	v8 =	vor.u32 v3, v8;
	v21 =	vld.idx.msk [tilespmem:v21+s2+$0x0], $0xffff  }
0xce: {  	v10 =	vor.u32 v3, v10;
	v22 =	vld.idx.msk [tilespmem:v22+s2+$0x0], $0xffff  }
0xcf: {  	v5 =	vsub.f32 v13, v5;
	v11 =	vor.u32 v3, v11;
	v13 =	vld.idx.msk [tilespmem:v28+s2+$0x0], $0xffff  }
0xd0: {  	[tilespmem:v15+s29+$0x0] =	vst.idx.msk $0xffff, v23;
	v4 =	vsub.f32 v14, v4;
	v14 =	vor.u32 v3, v19;
	v15 =	vld.idx.msk [tilespmem:v24+s2+$0x0], $0xffff  }
0xd1: {  	[tilespmem:v17+s29+$0x0] =	vst.idx.msk $0xffff, v5;
	v5 =	vsub.f32 v16, v7;
	v7 =	vor.u32 v3, v20;
	v16 =	vld.idx.msk [tilespmem:v25+s2+$0x0], $0xffff  }
0xd2: {  	[tilespmem:v8+s29+$0x0] =	vst.idx.msk $0xffff, v4;
	v4 =	vsub.f32 v21, v6;
	v6 =	vor.u32 v3, v26  }
0xd3: {  	v8 =	vor.u32 v3, v18;
	[tilespmem:v10+s29+$0x0] =	vst.idx.msk $0xffff, v5;
	v5 =	vsub.f32 v22, v12  }
0xd4: {  	[tilespmem:v11+s29+$0x0] =	vst.idx.msk $0xffff, v4;
	v4 =	vsub.f32 v13, v9  }
0xd5: {  	[tilespmem:v14+s29+$0x0] =	vst.idx.msk $0xffff, v5;
	v5 =	vsub.f32 v15, v30  }
0xd6: {  	[tilespmem:v7+s29+$0x0] =	vst.idx.msk $0xffff, v4;
	v4 =	vsub.f32 v16, v27  }
0xd7: {  	[tilespmem:v6+s29+$0x0] =	vst.idx.msk $0xffff, v5  }
0xd8: {  	[tilespmem:v8+s29+$0x0] =	vst.idx.msk $0xffff, v4  }
0xd9: {  	s14 =	rddreg [dreg:$0x9]  }
0xda: {  	[hbm4b:s14+s30] =	stream.strided.scatter [tilespmem:s29], [sflag:$0x5], $0x2000, s25, s30, $0x38;
	[tilespmem:$0x12380] =	vst v63  }
0xdb: {  	_ =	swait.ge [sflag:s21], $0x2000  }
0xdc: {  	[sflag:s21] =	ssyncset.done $0x0  }
0xdd: {  	s9 =	simm.s32 $0x6320;
	[sflag:s21] =	ssyncadd.s32 $0xFFFFE000  }
0xde: {  	v4 =	vld [tilespmem:s9+$0x0];
	_ =	sdelay $0x1  }
0xdf: {  	v6 =	vld [tilespmem:s9+$0xFFFFFFE0]  }
0xe0: {  	s15 =	simm.s32 $0x101  }
0xe1: {  	s16 =	simm.s32 $0x100;
	v5 =	vmov s15  }
0xe2: {  	s10 =	simm.s32 $0x6360;
	v7 =	vmov s16;
	v8 =	vadd.s32 $0x2000, v4  }
0xe3: {  	s17 =	simm.s32 $0x1;
	s13 =	simm.s32 $0x2;
	v10 =	vld [tilespmem:s10+$0x0];
	v4 =	vand.u32 $0xFFFFFFFE, v7  }
0xe4: {  	s11 =	simm.s32 $0x102;
	s19 =	simm.s32 $0x0;
	v17 =	vmov s13;
	s7 =	simm.s32 $0x63A0;
	v15 =	vld [tilespmem:s10+$0xFFFFFFE0];
	v6 =	vadd.s32 $0x2000, v6;
	v7 =	vbroadcast v4, $0x0  }
0xe5: {  	s26 =	simm.s32 $0x103;
	v12 =	vmov s19;
	v9 =	vmov s17;
	v11 =	vmov s11;
	v20 =	vld [tilespmem:s7+$0x0]  }
0xe6: {  	v13 =	vmov s26;
	v4 =	vld.idx.msk [tilespmem:v5+s22+$0x0], $0xffff;
	v5 =	vand.u32 $0xFFFFFFFE, v11;
	v11 =	vshll.u32 v9, $0x3  }
0xe7: {  	v14 =	vbroadcast v5, $0x0;
	v5 =	vand.u32 $0x7F, v9;
	v9 =	vand.u32 $0x400, v11;
	v8 =	vld.idx.msk [tilespmem:v8+s2+$0x0], $0xffff  }
0xe8: {  	v10 =	vadd.s32 $0x2000, v10;
	v11 =	vshll.u32 v12, $0x3;
	v25 =	vor.u32 v5, v9  }
0xe9: {  	s16 =	simm.s32 $0x5;
	v5 =	vand.u32 $0x7E, v12;
	v9 =	vand.u32 $0x400, v11;
	v11 =	vor.u32 v2, v25;
	v16 =	vld.idx.msk [tilespmem:v6+s2+$0x0], $0xffff  }
0xea: {  	s11 =	simm.s32 $0x3;
	v22 =	vmov s16;
	v20 =	vadd.s32 $0x2000, v20;
	v9 =	vor.u32 v5, v9;
	v5 =	vld.idx.msk [tilespmem:v7+s22+$0x0], $0xffff  }
0xeb: {  	v12 =	vor.u32 v2, v9;
	v6 =	vld.idx.msk [tilespmem:v13+s22+$0x0], $0xffff;
	v13 =	vadd.s32 $0x2000, v15;
	v7 =	vmov s11  }
0xec: {  	s14 =	simm.s32 $0x104;
	v18 =	vshll.u32 v7, $0x3;
	v19 =	vand.u32 $0x7F, v7;
	v15 =	vsub.f32 v8, v4  }
0xed: {  	v7 =	vld.idx.msk [tilespmem:v14+s22+$0x0], $0xffff;
	v14 =	vand.u32 $0x400, v18;
	v18 =	vshll.u32 v17, $0x3;
	v8 =	vmov s14  }
0xee: {  	v17 =	vand.u32 $0x7E, v17;
	v21 =	vand.u32 $0xFFFFFFFE, v8;
	v8 =	vor.u32 v19, v14;
	v14 =	vld.idx.msk [tilespmem:v10+s2+$0x0], $0xffff;
	[tilespmem:v11+s29+$0x0] =	vst.idx.msk $0xffff, v15  }
0xef: {  	v18 =	vand.u32 $0x400, v18;
	v15 =	vbroadcast v21, $0x0;
	v16 =	vsub.f32 v16, v5;
	v19 =	vld [tilespmem:s9+$0x10]  }
0xf0: {  	s26 =	simm.s32 $0x107;
	v10 =	vor.u32 v3, v9;
	v9 =	vor.u32 v17, v18;
	v17 =	vld [tilespmem:s7+$0xFFFFFFE0];
	v18 =	vor.u32 v2, v8  }
0xf1: {  	v27 =	vmov s26;
	s11 =	simm.s32 $0x6;
	v23 =	vld.idx.msk [tilespmem:v13+s2+$0x0], $0xffff;
	v13 =	vshll.u32 v22, $0x3;
	[tilespmem:v12+s29+$0x0] =	vst.idx.msk $0xffff, v16  }
0xf2: {  	s15 =	simm.s32 $0x105;
	v25 =	vor.u32 v3, v25;
	v29 =	vmov s11;
	v13 =	vand.u32 $0x400, v13;
	v24 =	vld [tilespmem:s9+$0xFFFFFFF0]  }
0xf3: {  	s17 =	simm.s32 $0x4;
	v30 =	vld.idx.msk [tilespmem:v20+s2+$0x0], $0xffff;
	v11 =	vmov s15;
	v21 =	vor.u32 v2, v9;
	s9 =	simm.s32 $0x63E0;
	v14 =	vsub.f32 v14, v6  }
0xf4: {  	v12 =	vmov s17;
	v16 =	vand.u32 $0x7F, v22;
	v62 =	vld [tilespmem:s9+$0xFFFFFFE0];
	v19 =	vadd.s32 $0x2000, v19  }
0xf5: {  	s19 =	simm.s32 $0x106;
	s14 =	simm.s32 $0x7;
	v22 =	vshll.u32 v12, $0x3;
	v26 =	vand.u32 $0x7E, v12;
	v17 =	vadd.s32 $0x2000, v17;
	v12 =	vld.idx.msk [tilespmem:v15+s22+$0x0], $0xffff;
	[tilespmem:v18+s29+$0x0] =	vst.idx.msk $0xffff, v14  }
0xf6: {  	v20 =	vmov s14;
	v22 =	vand.u32 $0x400, v22;
	v14 =	vmov s19;
	v18 =	vld [tilespmem:s10+$0x10]  }
0xf7: {  	v15 =	vor.u32 v26, v22;
	v22 =	vld [tilespmem:s9+$0x0];
	v14 =	vand.u32 $0xFFFFFFFE, v14;
	v26 =	vadd.s32 $0x2000, v24  }
0xf8: {  	v13 =	vor.u32 v16, v13;
	v23 =	vsub.f32 v23, v7;
	v11 =	vld.idx.msk [tilespmem:v11+s22+$0x0], $0xffff;
	v31 =	vbroadcast v14, $0x0  }
0xf9: {  	v16 =	vor.u32 v2, v15;
	v14 =	vor.u32 v3, v15;
	v24 =	vshll.u32 v20, $0x3;
	v15 =	vld.idx.msk [tilespmem:v19+s2+$0x0], $0xffff  }
0xfa: {  	v28 =	vor.u32 v2, v13;
	[tilespmem:v21+s29+$0x0] =	vst.idx.msk $0xffff, v23;
	v24 =	vand.u32 $0x400, v24;
	v19 =	vand.u32 $0x7F, v20;
	v20 =	vld.idx.msk [tilespmem:v17+s2+$0x0], $0xffff  }
0xfb: {  	v17 =	vshll.u32 v29, $0x3;
	v21 =	vor.u32 v19, v24;
	v24 =	vld [tilespmem:s10+$0xFFFFFFF0];
	v19 =	vadd.s32 $0x2000, v18  }
0xfc: {  	v18 =	vand.u32 $0x7E, v29;
	v17 =	vand.u32 $0x400, v17;
	v29 =	vadd.s32 $0x2000, v22;
	v22 =	vld.idx.msk [tilespmem:v26+s2+$0x0], $0xffff  }
0xfd: {  	v9 =	vor.u32 v3, v9;
	v30 =	vsub.f32 v30, v11;
	v63 =	vor.u32 v18, v17;
	v18 =	vld.idx.msk [tilespmem:v27+s22+$0x0], $0xffff  }
0xfe: {  	s10 =	simm.s32 $0x6420;
	v26 =	vadd.s32 $0x2000, v62;
	v17 =	vld.idx.msk [tilespmem:v31+s22+$0x0], $0xffff;
	v23 =	vor.u32 v2, v63;
	v27 =	vor.u32 v3, v63  }
.LBB2_8:
0xff: {  	s13 =	sadd.s32 $0x102, s11  }
0x100: {  	s14 =	sadd.s32 $0x103, s11;
	v31 =	vld [tilespmem:s10+$0x0];
	[tilespmem:v28+s29+$0x0] =	vst.idx.msk $0xffff, v30;
	v32 =	vmovc v8;
	v8 =	vmovc v13;
	v13 =	vmov v21;
	v33 =	vmov v14;
	v14 =	vmov v27;
	s15 =	smov.u32 s11;
	s11 =	sadd.s32 $0x2, s11  }
0x101: {  	v21 =	vmov s13;
	s13 =	sadd.s32 $0x3, s15;
	v27 =	vmov s14;
	p0 =	slt.u32 s11, $0xFE;
	v30 =	vld [tilespmem:s7+$0x10];
	v34 =	vadd.s32 $0x2000, v24  }
0x102: {  	v28 =	vsub.f32 v15, v4;
	v4 =	vmovc v6;
	v6 =	vmovc v11;
	v21 =	vand.u32 $0xFFFFFFFE, v21;
	v24 =	vmov s13;
	v35 =	vld.idx.msk [tilespmem:v29+s2+$0x0], $0xffff  }
0x103: {  	v22 =	vsub.f32 v22, v5;
	v5 =	vmovc v7;
	v7 =	vmovc v12;
	v36 =	vbroadcast v21, $0x0;
	v37 =	vld [tilespmem:s10+$0xFFFFFFE0];
	v21 =	vsub.f32 v20, v12  }
0x104: {  	v29 =	vmov s11;
	v38 =	vshll.u32 v24, $0x3;
	v11 =	vmov v18;
	v15 =	vld.idx.msk [tilespmem:v19+s2+$0x0], $0xffff;
	[tilespmem:v25+s29+$0x0] =	vst.idx.msk $0xffff, v28  }
.Ltmp3:
0x105: {  	v18 =	vand.u32 $0x7F, v24;
	v25 =	vand.u32 $0x400, v38;
	v28 =	vor.u32 v2, v13;
	v20 =	vld.idx.msk [tilespmem:v26+s2+$0x0], $0xffff;
	[tilespmem:v16+s29+$0x0] =	vst.idx.msk $0xffff, v21;
	(pc) =	sbr.rel @p0 .LBB2_8-.Ltmp3, $4  }
0x106: {  	v12 =	vmovc v17;
	v26 =	vshll.u32 v29, $0x3;
	v21 =	vor.u32 v18, v25;
	v24 =	vld [tilespmem:s7+$0xFFFFFFF0];
	v19 =	vadd.s32 $0x2000, v30;
	[tilespmem:v10+s29+$0x0] =	vst.idx.msk $0xffff, v22;
	s7 =	smov.u32 s9;
	s9 =	smov.u32 s10  }
0x107: {  	v17 =	vand.u32 $0x7E, v29;
	v29 =	vadd.s32 $0x2000, v31;
	v16 =	vmovc v23;
	v18 =	vand.u32 $0x400, v26;
	v10 =	vmovc v9;
	v22 =	vld.idx.msk [tilespmem:v34+s2+$0x0], $0xffff  }
0x108: {  	v9 =	vmovc v33;
	v25 =	vor.u32 v17, v18;
	v30 =	vsub.f32 v35, v11;
	v26 =	vadd.s32 $0x2000, v37;
	v18 =	vld.idx.msk [tilespmem:v27+s22+$0x0], $0xffff  }
0x109: {  	s10 =	sadd.s32 $0x40, s10;
	v23 =	vor.u32 v2, v25;
	v27 =	vor.u32 v3, v25;
	v25 =	vor.u32 v3, v32;
	v17 =	vld.idx.msk [tilespmem:v36+s22+$0x0], $0xffff  }
0x10a: {  	_ =	sdelay $0x3  }
0x10b: {  	v29 =	vld.idx.msk [tilespmem:v29+s2+$0x0], $0xffff  }
0x10c: {  	v26 =	vld.idx.msk [tilespmem:v26+s2+$0x0], $0xffff  }
0x10d: {  	v31 =	vor.u32 v2, v21;
	_ =	sdelay $0x1  }
0x10e: {  	v20 =	vsub.f32 v20, v12  }
0x10f: {  	[tilespmem:v28+s29+$0x0] =	vst.idx.msk $0xffff, v30;
	v28 =	vsub.f32 v29, v18  }
0x110: {  	[tilespmem:v16+s29+$0x0] =	vst.idx.msk $0xffff, v20;
	v29 =	vld [tilespmem:s7+$0x10];
	v16 =	vsub.f32 v26, v17  }
0x111: {  	v20 =	vld [tilespmem:s7+$0xFFFFFFF0];
	[tilespmem:v31+s29+$0x0] =	vst.idx.msk $0xffff, v28  }
0x112: {  	[tilespmem:v23+s29+$0x0] =	vst.idx.msk $0xffff, v16;
	v26 =	vld [tilespmem:s9+$0x10]  }
0x113: {  	v16 =	vld [tilespmem:s9+$0xFFFFFFF0]  }
0x114: {  	v23 =	vadd.s32 $0x2000, v24  }
0x115: {  	v24 =	vadd.s32 $0x2000, v29  }
0x116: {  	v20 =	vadd.s32 $0x2000, v20  }
0x117: {  	v26 =	vadd.s32 $0x2000, v26  }
0x118: {  	v19 =	vld.idx.msk [tilespmem:v19+s2+$0x0], $0xffff;
	v16 =	vadd.s32 $0x2000, v16  }
0x119: {  	v23 =	vld.idx.msk [tilespmem:v23+s2+$0x0], $0xffff  }
0x11a: {  	v8 =	vor.u32 v3, v8;
	v24 =	vld.idx.msk [tilespmem:v24+s2+$0x0], $0xffff  }
0x11b: {  	v4 =	vsub.f32 v15, v4;
	v15 =	vld.idx.msk [tilespmem:v20+s2+$0x0], $0xffff  }
0x11c: {  	v13 =	vor.u32 v3, v13;
	v5 =	vsub.f32 v22, v5;
	v20 =	vld.idx.msk [tilespmem:v26+s2+$0x0], $0xffff  }
0x11d: {  	[tilespmem:v25+s29+$0x0] =	vst.idx.msk $0xffff, v4;
	v4 =	vsub.f32 v19, v6;
	v6 =	vld.idx.msk [tilespmem:v16+s2+$0x0], $0xffff  }
0x11e: {  	[tilespmem:v10+s29+$0x0] =	vst.idx.msk $0xffff, v5;
	v5 =	vsub.f32 v23, v7;
	v7 =	vor.u32 v3, v21  }
0x11f: {  	[tilespmem:v8+s29+$0x0] =	vst.idx.msk $0xffff, v4;
	v4 =	vsub.f32 v24, v11  }
0x120: {  	[tilespmem:v9+s29+$0x0] =	vst.idx.msk $0xffff, v5;
	v5 =	vsub.f32 v15, v12  }
0x121: {  	[tilespmem:v13+s29+$0x0] =	vst.idx.msk $0xffff, v4;
	v4 =	vsub.f32 v20, v18  }
0x122: {  	[tilespmem:v14+s29+$0x0] =	vst.idx.msk $0xffff, v5;
	v5 =	vsub.f32 v6, v17  }
0x123: {  	[tilespmem:v7+s29+$0x0] =	vst.idx.msk $0xffff, v4  }
0x124: {  	[tilespmem:v27+s29+$0x0] =	vst.idx.msk $0xffff, v5  }
0x125: {  	s16 =	rddreg [dreg:$0xa]  }
0x126: {  	[hbm4b:s16+s30] =	stream.strided.scatter [tilespmem:s29], [sflag:$0x5], $0x2000, s25, s30, $0x38;
	[tilespmem:$0x12380] =	vst v63  }
0x127: {  	_ =	swait.ge [sflag:s21], $0x2000  }
0x128: {  	[sflag:s21] =	ssyncset.done $0x0  }
0x129: {  	s9 =	simm.s32 $0x6320;
	[sflag:s21] =	ssyncadd.s32 $0xFFFFE000  }
0x12a: {  	v4 =	vld [tilespmem:s9+$0x0];
	_ =	sdelay $0x1  }
0x12b: {  	v6 =	vld [tilespmem:s9+$0xFFFFFFE0]  }
0x12c: {  	s17 =	simm.s32 $0x201  }
0x12d: {  	s10 =	simm.s32 $0x200;
	v5 =	vmov s17  }
0x12e: {  	v7 =	vmov s10;
	s10 =	simm.s32 $0x6360;
	v8 =	vadd.s32 $0x4000, v4  }
0x12f: {  	s19 =	simm.s32 $0x1;
	s11 =	simm.s32 $0x202;
	v10 =	vld [tilespmem:s10+$0x0];
	v4 =	vand.u32 $0xFFFFFFFE, v7  }
0x130: {  	s13 =	simm.s32 $0x0;
	s26 =	simm.s32 $0x203;
	s7 =	simm.s32 $0x63A0;
	v9 =	vmov s19;
	v15 =	vld [tilespmem:s10+$0xFFFFFFE0];
	v6 =	vadd.s32 $0x4000, v6;
	v7 =	vbroadcast v4, $0x0  }
0x131: {  	v12 =	vmov s13;
	s13 =	simm.s32 $0x2;
	v11 =	vmov s11;
	v13 =	vmov s26;
	v20 =	vld [tilespmem:s7+$0x0]  }
0x132: {  	v17 =	vmov s13;
	v4 =	vld.idx.msk [tilespmem:v5+s22+$0x0], $0xffff;
	v5 =	vand.u32 $0xFFFFFFFE, v11;
	v11 =	vshll.u32 v9, $0x3  }
0x133: {  	v14 =	vbroadcast v5, $0x0;
	v5 =	vand.u32 $0x7F, v9;
	v9 =	vand.u32 $0x400, v11;
	v8 =	vld.idx.msk [tilespmem:v8+s2+$0x0], $0xffff  }
0x134: {  	v10 =	vadd.s32 $0x4000, v10;
	v11 =	vshll.u32 v12, $0x3;
	v25 =	vor.u32 v5, v9  }
0x135: {  	s16 =	simm.s32 $0x5;
	v5 =	vand.u32 $0x7E, v12;
	v9 =	vand.u32 $0x400, v11;
	v11 =	vor.u32 v2, v25;
	v16 =	vld.idx.msk [tilespmem:v6+s2+$0x0], $0xffff  }
0x136: {  	s11 =	simm.s32 $0x3;
	v22 =	vmov s16;
	v20 =	vadd.s32 $0x4000, v20;
	v9 =	vor.u32 v5, v9;
	v5 =	vld.idx.msk [tilespmem:v7+s22+$0x0], $0xffff  }
0x137: {  	v12 =	vor.u32 v2, v9;
	v6 =	vld.idx.msk [tilespmem:v13+s22+$0x0], $0xffff;
	v13 =	vadd.s32 $0x4000, v15;
	v7 =	vmov s11  }
0x138: {  	s14 =	simm.s32 $0x204;
	v18 =	vshll.u32 v7, $0x3;
	v19 =	vand.u32 $0x7F, v7;
	v15 =	vsub.f32 v8, v4  }
0x139: {  	v7 =	vld.idx.msk [tilespmem:v14+s22+$0x0], $0xffff;
	v14 =	vand.u32 $0x400, v18;
	v18 =	vshll.u32 v17, $0x3;
	v8 =	vmov s14  }
0x13a: {  	v17 =	vand.u32 $0x7E, v17;
	v21 =	vand.u32 $0xFFFFFFFE, v8;
	v8 =	vor.u32 v19, v14;
	v14 =	vld.idx.msk [tilespmem:v10+s2+$0x0], $0xffff;
	[tilespmem:v11+s29+$0x0] =	vst.idx.msk $0xffff, v15  }
0x13b: {  	v18 =	vand.u32 $0x400, v18;
	v15 =	vbroadcast v21, $0x0;
	v16 =	vsub.f32 v16, v5;
	v19 =	vld [tilespmem:s9+$0x10]  }
0x13c: {  	s26 =	simm.s32 $0x207;
	v10 =	vor.u32 v3, v9;
	v9 =	vor.u32 v17, v18;
	v17 =	vld [tilespmem:s7+$0xFFFFFFE0];
	v18 =	vor.u32 v2, v8  }
0x13d: {  	v27 =	vmov s26;
	s11 =	simm.s32 $0x6;
	v23 =	vld.idx.msk [tilespmem:v13+s2+$0x0], $0xffff;
	v13 =	vshll.u32 v22, $0x3;
	[tilespmem:v12+s29+$0x0] =	vst.idx.msk $0xffff, v16  }
0x13e: {  	s15 =	simm.s32 $0x205;
	v25 =	vor.u32 v3, v25;
	v29 =	vmov s11;
	v13 =	vand.u32 $0x400, v13;
	v24 =	vld [tilespmem:s9+$0xFFFFFFF0]  }
0x13f: {  	s17 =	simm.s32 $0x4;
	v30 =	vld.idx.msk [tilespmem:v20+s2+$0x0], $0xffff;
	v11 =	vmov s15;
	v21 =	vor.u32 v2, v9;
	s9 =	simm.s32 $0x63E0;
	v14 =	vsub.f32 v14, v6  }
0x140: {  	v12 =	vmov s17;
	v16 =	vand.u32 $0x7F, v22;
	v32 =	vld [tilespmem:s9+$0xFFFFFFE0];
	v19 =	vadd.s32 $0x4000, v19  }
0x141: {  	s19 =	simm.s32 $0x206;
	s14 =	simm.s32 $0x7;
	v22 =	vshll.u32 v12, $0x3;
	v26 =	vand.u32 $0x7E, v12;
	v17 =	vadd.s32 $0x4000, v17;
	v12 =	vld.idx.msk [tilespmem:v15+s22+$0x0], $0xffff;
	[tilespmem:v18+s29+$0x0] =	vst.idx.msk $0xffff, v14  }
0x142: {  	v20 =	vmov s14;
	v22 =	vand.u32 $0x400, v22;
	v14 =	vmov s19;
	v18 =	vld [tilespmem:s10+$0x10]  }
0x143: {  	v15 =	vor.u32 v26, v22;
	v22 =	vld [tilespmem:s9+$0x0];
	v14 =	vand.u32 $0xFFFFFFFE, v14;
	v26 =	vadd.s32 $0x4000, v24  }
0x144: {  	v13 =	vor.u32 v16, v13;
	v23 =	vsub.f32 v23, v7;
	v11 =	vld.idx.msk [tilespmem:v11+s22+$0x0], $0xffff;
	v31 =	vbroadcast v14, $0x0  }
0x145: {  	v16 =	vor.u32 v2, v15;
	v14 =	vor.u32 v3, v15;
	v24 =	vshll.u32 v20, $0x3;
	v15 =	vld.idx.msk [tilespmem:v19+s2+$0x0], $0xffff  }
0x146: {  	v28 =	vor.u32 v2, v13;
	[tilespmem:v21+s29+$0x0] =	vst.idx.msk $0xffff, v23;
	v24 =	vand.u32 $0x400, v24;
	v19 =	vand.u32 $0x7F, v20;
	v20 =	vld.idx.msk [tilespmem:v17+s2+$0x0], $0xffff  }
0x147: {  	v17 =	vshll.u32 v29, $0x3;
	v21 =	vor.u32 v19, v24;
	v24 =	vld [tilespmem:s10+$0xFFFFFFF0];
	v19 =	vadd.s32 $0x4000, v18  }
0x148: {  	v18 =	vand.u32 $0x7E, v29;
	v17 =	vand.u32 $0x400, v17;
	v29 =	vadd.s32 $0x4000, v22;
	v22 =	vld.idx.msk [tilespmem:v26+s2+$0x0], $0xffff  }
0x149: {  	v9 =	vor.u32 v3, v9;
	v30 =	vsub.f32 v30, v11;
	v63 =	vor.u32 v18, v17;
	v18 =	vld.idx.msk [tilespmem:v27+s22+$0x0], $0xffff  }
0x14a: {  	s10 =	simm.s32 $0x6420;
	v26 =	vadd.s32 $0x4000, v32;
	v17 =	vld.idx.msk [tilespmem:v31+s22+$0x0], $0xffff;
	v23 =	vor.u32 v2, v63;
	v27 =	vor.u32 v3, v63  }
.LBB2_10:
0x14b: {  	s13 =	sadd.s32 $0x202, s11  }
0x14c: {  	s14 =	sadd.s32 $0x203, s11;
	v31 =	vld [tilespmem:s10+$0x0];
	[tilespmem:v28+s29+$0x0] =	vst.idx.msk $0xffff, v30;
	v32 =	vmovc v8;
	v8 =	vmovc v13;
	v13 =	vmov v21;
	v33 =	vmov v14;
	v14 =	vmov v27;
	s15 =	smov.u32 s11;
	s11 =	sadd.s32 $0x2, s11  }
0x14d: {  	v21 =	vmov s13;
	s13 =	sadd.s32 $0x3, s15;
	v27 =	vmov s14;
	p0 =	slt.u32 s11, $0xFE;
	v30 =	vld [tilespmem:s7+$0x10];
	v34 =	vadd.s32 $0x4000, v24  }
0x14e: {  	v28 =	vsub.f32 v15, v4;
	v4 =	vmovc v6;
	v6 =	vmovc v11;
	v21 =	vand.u32 $0xFFFFFFFE, v21;
	v24 =	vmov s13;
	v35 =	vld.idx.msk [tilespmem:v29+s2+$0x0], $0xffff  }
0x14f: {  	v22 =	vsub.f32 v22, v5;
	v5 =	vmovc v7;
	v7 =	vmovc v12;
	v36 =	vbroadcast v21, $0x0;
	v37 =	vld [tilespmem:s10+$0xFFFFFFE0];
	v21 =	vsub.f32 v20, v12  }
0x150: {  	v29 =	vmov s11;
	v38 =	vshll.u32 v24, $0x3;
	v11 =	vmov v18;
	v15 =	vld.idx.msk [tilespmem:v19+s2+$0x0], $0xffff;
	[tilespmem:v25+s29+$0x0] =	vst.idx.msk $0xffff, v28  }
.Ltmp4:
0x151: {  	v18 =	vand.u32 $0x7F, v24;
	v25 =	vand.u32 $0x400, v38;
	v28 =	vor.u32 v2, v13;
	v20 =	vld.idx.msk [tilespmem:v26+s2+$0x0], $0xffff;
	[tilespmem:v16+s29+$0x0] =	vst.idx.msk $0xffff, v21;
	(pc) =	sbr.rel @p0 .LBB2_10-.Ltmp4, $4  }
0x152: {  	v12 =	vmovc v17;
	v26 =	vshll.u32 v29, $0x3;
	v21 =	vor.u32 v18, v25;
	v24 =	vld [tilespmem:s7+$0xFFFFFFF0];
	v19 =	vadd.s32 $0x4000, v30;
	[tilespmem:v10+s29+$0x0] =	vst.idx.msk $0xffff, v22;
	s7 =	smov.u32 s9;
	s9 =	smov.u32 s10  }
0x153: {  	v17 =	vand.u32 $0x7E, v29;
	v29 =	vadd.s32 $0x4000, v31;
	v16 =	vmovc v23;
	v18 =	vand.u32 $0x400, v26;
	v10 =	vmovc v9;
	v22 =	vld.idx.msk [tilespmem:v34+s2+$0x0], $0xffff  }
0x154: {  	v9 =	vmovc v33;
	v25 =	vor.u32 v17, v18;
	v30 =	vsub.f32 v35, v11;
	v26 =	vadd.s32 $0x4000, v37;
	v18 =	vld.idx.msk [tilespmem:v27+s22+$0x0], $0xffff  }
0x155: {  	s10 =	sadd.s32 $0x40, s10;
	v23 =	vor.u32 v2, v25;
	v27 =	vor.u32 v3, v25;
	v25 =	vor.u32 v3, v32;
	v17 =	vld.idx.msk [tilespmem:v36+s22+$0x0], $0xffff  }
0x156: {  	_ =	sdelay $0x3  }
0x157: {  	v29 =	vld.idx.msk [tilespmem:v29+s2+$0x0], $0xffff  }
0x158: {  	v26 =	vld.idx.msk [tilespmem:v26+s2+$0x0], $0xffff  }
0x159: {  	v31 =	vor.u32 v2, v21;
	_ =	sdelay $0x1  }
0x15a: {  	v20 =	vsub.f32 v20, v12  }
0x15b: {  	[tilespmem:v28+s29+$0x0] =	vst.idx.msk $0xffff, v30;
	v54 =	vsub.f32 v29, v18  }
0x15c: {  	v55 =	vld [tilespmem:s7+$0x10];
	[tilespmem:v16+s29+$0x0] =	vst.idx.msk $0xffff, v20;
	v56 =	vsub.f32 v26, v17  }
0x15d: {  	v20 =	vld [tilespmem:s7+$0xFFFFFFF0];
	[tilespmem:v31+s29+$0x0] =	vst.idx.msk $0xffff, v54  }
0x15e: {  	[tilespmem:v23+s29+$0x0] =	vst.idx.msk $0xffff, v56;
	v57 =	vld [tilespmem:s9+$0x10]  }
0x15f: {  	v16 =	vld [tilespmem:s9+$0xFFFFFFF0]  }
0x160: {  	v58 =	vadd.s32 $0x4000, v24  }
0x161: {  	v59 =	vadd.s32 $0x4000, v55  }
0x162: {  	v20 =	vadd.s32 $0x4000, v20  }
0x163: {  	v26 =	vadd.s32 $0x4000, v57  }
0x164: {  	v19 =	vld.idx.msk [tilespmem:v19+s2+$0x0], $0xffff;
	v16 =	vadd.s32 $0x4000, v16  }
0x165: {  	v23 =	vld.idx.msk [tilespmem:v58+s2+$0x0], $0xffff  }
0x166: {  	v8 =	vor.u32 v3, v8;
	v24 =	vld.idx.msk [tilespmem:v59+s2+$0x0], $0xffff  }
0x167: {  	v4 =	vsub.f32 v15, v4;
	v60 =	vld.idx.msk [tilespmem:v20+s2+$0x0], $0xffff  }
0x168: {  	v13 =	vor.u32 v3, v13;
	v5 =	vsub.f32 v22, v5;
	v61 =	vld.idx.msk [tilespmem:v26+s2+$0x0], $0xffff  }
0x169: {  	[tilespmem:v25+s29+$0x0] =	vst.idx.msk $0xffff, v4;
	v4 =	vsub.f32 v19, v6;
	v62 =	vld.idx.msk [tilespmem:v16+s2+$0x0], $0xffff  }
0x16a: {  	v63 =	vor.u32 v3, v21;
	[tilespmem:v10+s29+$0x0] =	vst.idx.msk $0xffff, v5;
	v5 =	vsub.f32 v23, v7  }
0x16b: {  	[tilespmem:v8+s29+$0x0] =	vst.idx.msk $0xffff, v4;
	v4 =	vsub.f32 v24, v11  }
0x16c: {  	[tilespmem:v9+s29+$0x0] =	vst.idx.msk $0xffff, v5;
	v5 =	vsub.f32 v60, v12  }
0x16d: {  	[tilespmem:v13+s29+$0x0] =	vst.idx.msk $0xffff, v4;
	v4 =	vsub.f32 v61, v18  }
0x16e: {  	[tilespmem:v14+s29+$0x0] =	vst.idx.msk $0xffff, v5;
	v5 =	vsub.f32 v62, v17  }
0x16f: {  	[tilespmem:v63+s29+$0x0] =	vst.idx.msk $0xffff, v4  }
0x170: {  	[tilespmem:v27+s29+$0x0] =	vst.idx.msk $0xffff, v5  }
0x171: {  	s17 =	rddreg [dreg:$0xc]  }
0x172: {  	[hbm4b:s17+s30] =	stream.strided.scatter [tilespmem:s29], [sflag:$0x5], $0x2000, s25, s30, $0x38;
	[tilespmem:$0x12380] =	vst v63  }
0x173: {  	_ =	swait.ge [sflag:s21], $0x2000  }
0x174: {  	[sflag:s21] =	ssyncset.done $0x0  }
0x175: {  	s7 =	simm.s32 $0x0;
	s19 =	rddreg [dreg:$0xb];
	[sflag:s21] =	ssyncadd.s32 $0xFFFFE000  }
0x176: {  	[tilespmem:s31], [sflag:$0x1] =	stream.linear.gather [hbm4b:s19+s7], $0x2000, $0x38;
	[tilespmem:$0x12380] =	vst v63  }
0x177: {  	s9 =	simm.s32 $0x0;
	s26 =	rddreg [dreg:$0xd]  }
0x178: {  	[tilespmem:s0], [sflag:$0x2] =	stream.linear.gather [hbm4b:s26+s7], $0x2000, $0x38;
	[tilespmem:$0x12380] =	vst v63  }
.LBB2_12:
0x179: {  	_ =	swait.ge [sflag:s1], $0x2000  }
0x17a: {  	p0 =	seq.s32 s9, $0x0;
	[sflag:s1] =	ssyncset.done $0x0  }
0x17b: {  	s10 =	simm.s32 @!p0 $0x3;
	[sflag:s1] =	ssyncadd.s32 $0xFFFFE000  }
0x17c: {  	_ =	swait.ge @!p0 [sflag:s10], $0x2000  }
0x17d: {  	[sflag:s10] =	ssyncset.done @!p0 $0x0  }
0x17e: {  	s11 =	simm.s32 $0x6340;
	[sflag:s10] =	ssyncadd.s32 @!p0 $0xFFFFE000  }
0x17f: {  	v4 =	vld [tilespmem:s11+$0x20];
	_ =	sdelay $0x2  }
0x180: {  	s15 =	simm.s32 $0x3;
	v5 =	vld [tilespmem:s11+$0xFFFFFFC0]  }
0x181: {  	v7 =	vmov s15  }
0x182: {  	s16 =	simm.s32 $0x1;
	v9 =	vshll.u32 v7, $0x3;
	v6 =	vld [tilespmem:s11+$0xFFFFFFE0]  }
0x183: {  	s13 =	simm.s32 $0x2;
	v12 =	vmov s16;
	v7 =	vand.u32 $0x7F, v7;
	v9 =	vand.u32 $0x400, v9  }
0x184: {  	v13 =	vmov s13;
	v7 =	vor.u32 v7, v9;
	v9 =	vmov s7;
	v8 =	vld [tilespmem:s11+$0x0]  }
0x185: {  	v10 =	vor.u32 v2, v7;
	v11 =	vand.u32 $0x7C, v9;
	v9 =	vshll.u32 v9, $0x3;
	v4 =	vld.idx.msk [tilespmem:v4+s31+$0x0], $0xffff  }
0x186: {  	v14 =	vand.u32 $0x7D, v12;
	v12 =	vshll.u32 v12, $0x3;
	v9 =	vand.u32 $0x400, v9  }
0x187: {  	v15 =	vor.u32 v11, v9;
	v9 =	vshll.u32 v13, $0x3;
	v11 =	vand.u32 $0x400, v12  }
0x188: {  	s10 =	simm.s32 $0x63C0;
	v13 =	vand.u32 $0x7E, v13;
	v12 =	vor.u32 v2, v15;
	v9 =	vand.u32 $0x400, v9;
	v5 =	vld.idx.msk [tilespmem:v5+s31+$0x0], $0xffff  }
0x189: {  	v17 =	vor.u32 v13, v9;
	v13 =	vld [tilespmem:s10+$0xFFFFFFC0]  }
0x18a: {  	v14 =	vor.u32 v14, v11;
	v6 =	vld.idx.msk [tilespmem:v6+s31+$0x0], $0xffff;
	[tilespmem:v10+s29+$0x0] =	vst.idx.msk $0xffff, v4  }
0x18b: {  	v4 =	vor.u32 v2, v14;
	v9 =	vld [tilespmem:s11+$0x30]  }
0x18c: {  	v8 =	vld.idx.msk [tilespmem:v8+s31+$0x0], $0xffff;
	v10 =	vor.u32 v2, v17  }
0x18d: {  	[tilespmem:v12+s29+$0x0] =	vst.idx.msk $0xffff, v5;
	v12 =	vld [tilespmem:s10+$0x0]  }
0x18e: {  	v11 =	vld [tilespmem:s10+$0x20]  }
0x18f: {  	s17 =	simm.s32 $0x4;
	v16 =	vld [tilespmem:s10+$0xFFFFFFE0]  }
0x190: {  	s19 =	simm.s32 $0x7;
	s14 =	simm.s32 $0x5;
	v18 =	vld [tilespmem:s11+$0xFFFFFFD0];
	[tilespmem:v4+s29+$0x0] =	vst.idx.msk $0xffff, v6;
	v4 =	vmov s17  }
0x191: {  	v7 =	vor.u32 v3, v7;
	[tilespmem:v10+s29+$0x0] =	vst.idx.msk $0xffff, v8;
	v6 =	vmov s19;
	v10 =	vmov s14;
	v8 =	vld [tilespmem:s11+$0xFFFFFFF0]  }
0x192: {  	v5 =	vand.u32 $0x7C, v4;
	v4 =	vshll.u32 v4, $0x3;
	v20 =	vld [tilespmem:s11+$0x10];
	v21 =	vand.u32 $0x7D, v10  }
0x193: {  	v19 =	vand.u32 $0x400, v4;
	v4 =	vshll.u32 v6, $0x3;
	v6 =	vand.u32 $0x7F, v6;
	v22 =	vld.idx.msk [tilespmem:v9+s31+$0x0], $0xffff  }
0x194: {  	s26 =	simm.s32 $0x6;
	v23 =	vld.idx.msk [tilespmem:v13+s31+$0x0], $0xffff;
	v4 =	vand.u32 $0x400, v4;
	v5 =	vor.u32 v5, v19;
	v9 =	vshll.u32 v10, $0x3  }
0x195: {  	v13 =	vld.idx.msk [tilespmem:v12+s31+$0x0], $0xffff;
	v4 =	vor.u32 v6, v4;
	v6 =	vand.u32 $0x400, v9;
	v9 =	vmov s26  }
0x196: {  	v10 =	vld.idx.msk [tilespmem:v11+s31+$0x0], $0xffff;
	v24 =	vor.u32 v2, v5;
	v19 =	vor.u32 v2, v4;
	v12 =	vshll.u32 v9, $0x3  }
0x197: {  	v25 =	vld.idx.msk [tilespmem:v16+s31+$0x0], $0xffff;
	v6 =	vor.u32 v21, v6;
	v16 =	vand.u32 $0x7E, v9;
	v12 =	vand.u32 $0x400, v12  }
0x198: {  	v21 =	vor.u32 v2, v6;
	[tilespmem:v7+s29+$0x0] =	vst.idx.msk $0xffff, v22;
	v7 =	vor.u32 v16, v12  }
0x199: {  	v11 =	vld.idx.msk [tilespmem:v18+s31+$0x0], $0xffff;
	v16 =	vor.u32 v2, v7  }
0x19a: {  	v9 =	vld.idx.msk [tilespmem:v8+s31+$0x0], $0xffff;
	v12 =	vor.u32 v3, v15  }
0x19b: {  	v8 =	vld.idx.msk [tilespmem:v20+s31+$0x0], $0xffff;
	v15 =	vor.u32 v3, v14;
	[tilespmem:v19+s29+$0x0] =	vst.idx.msk $0xffff, v10  }
0x19c: {  	s13 =	simm.s32 $0x6440;
	[tilespmem:v24+s29+$0x0] =	vst.idx.msk $0xffff, v23;
	v14 =	vor.u32 v3, v17;
	v10 =	vld [tilespmem:s10+$0x30]  }
0x19d: {  	s16 =	simm.s32 $0xC;
	s14 =	simm.s32 $0x8;
	s11 =	sshll.u32 s9, $0x1;
	v17 =	vld [tilespmem:s13+$0x20];
	[tilespmem:v21+s29+$0x0] =	vst.idx.msk $0xffff, v25  }
.LBB2_13:
0x19e: {  	p1 =	slt.u32 s16, $0xFC;
	v18 =	vld [tilespmem:s13+$0xFFFFFFC0];
	[tilespmem:v16+s29+$0x0] =	vst.idx.msk $0xffff, v13  }
0x19f: {  	v13 =	vld [tilespmem:s13+$0xFFFFFFE0];
	[tilespmem:v12+s29+$0x0] =	vst.idx.msk $0xffff, v11  }
0x1a0: {  	s15 =	sadd.s32 $0x1, s14;
	v11 =	vmov s14;
	v12 =	vld [tilespmem:s13+$0x0];
	[tilespmem:v15+s29+$0x0] =	vst.idx.msk $0xffff, v9  }
0x1a1: {  	s17 =	sadd.s32 $0x3, s14;
	v9 =	vand.u32 $0x7C, v11;
	v11 =	vshll.u32 v11, $0x3;
	v15 =	vmov s15;
	s15 =	sadd.s32 $0x2, s14;
	s14 =	smov.u32 s16;
	v19 =	vld [tilespmem:s10+$0xFFFFFFD0];
	[tilespmem:v14+s29+$0x0] =	vst.idx.msk $0xffff, v8  }
0x1a2: {  	v8 =	vand.u32 $0x400, v11;
	v11 =	vmov s15;
	v14 =	vmov s17;
	v20 =	vld [tilespmem:s10+$0xFFFFFFF0]  }
0x1a3: {  	v16 =	vand.u32 $0x7D, v15;
	v21 =	vand.u32 $0x7E, v11;
	v22 =	vshll.u32 v14, $0x3;
	v23 =	vld [tilespmem:s10+$0x10];
	s10 =	smov.u32 s13  }
0x1a4: {  	v15 =	vshll.u32 v15, $0x3;
	v14 =	vand.u32 $0x7F, v14;
	v22 =	vand.u32 $0x400, v22;
	v10 =	vld.idx.msk [tilespmem:v10+s31+$0x0], $0xffff  }
0x1a5: {  	v24 =	vor.u32 v3, v4;
	v11 =	vshll.u32 v11, $0x3;
	v4 =	vor.u32 v14, v22;
	v17 =	vld.idx.msk [tilespmem:v17+s31+$0x0], $0xffff  }
0x1a6: {  	v8 =	vor.u32 v9, v8;
	v9 =	vand.u32 $0x400, v15;
	v15 =	vor.u32 v2, v4;
	v14 =	vld.idx.msk [tilespmem:v18+s31+$0x0], $0xffff  }
0x1a7: {  	v25 =	vor.u32 v16, v9;
	v9 =	vand.u32 $0x400, v11;
	v18 =	vor.u32 v2, v8;
	v22 =	vld.idx.msk [tilespmem:v13+s31+$0x0], $0xffff  }
0x1a8: {  	v26 =	vor.u32 v2, v25;
	v21 =	vor.u32 v21, v9;
	v13 =	vld.idx.msk [tilespmem:v12+s31+$0x0], $0xffff  }
.Ltmp5:
0x1a9: {  	v16 =	vor.u32 v2, v21;
	v11 =	vld.idx.msk [tilespmem:v19+s31+$0x0], $0xffff;
	(pc) =	sbr.rel @p1 .LBB2_13-.Ltmp5, $4  }
0x1aa: {  	v12 =	vor.u32 v3, v5;
	v5 =	vmov v8;
	v9 =	vld.idx.msk [tilespmem:v20+s31+$0x0], $0xffff;
	[tilespmem:v24+s29+$0x0] =	vst.idx.msk $0xffff, v10  }
0x1ab: {  	[tilespmem:v15+s29+$0x0] =	vst.idx.msk $0xffff, v17;
	v15 =	vor.u32 v3, v6;
	v8 =	vld.idx.msk [tilespmem:v23+s31+$0x0], $0xffff;
	v6 =	vmov v25  }
0x1ac: {  	s13 =	sadd.s32 $0x80, s13;
	[tilespmem:v18+s29+$0x0] =	vst.idx.msk $0xffff, v14;
	v10 =	vld [tilespmem:s10+$0x30];
	v14 =	vor.u32 v3, v7;
	v7 =	vmov v21  }
0x1ad: {  	s16 =	sadd.s32 $0x4, s16;
	v17 =	vld [tilespmem:s13+$0x20];
	[tilespmem:v26+s29+$0x0] =	vst.idx.msk $0xffff, v22  }
0x1ae: {  	_ = 	snop  }
0x1af: {  	v18 =	vld [tilespmem:s13+$0xFFFFFFC0]  }
0x1b0: {  	v19 =	vld [tilespmem:s13+$0xFFFFFFE0];
	v20 =	vmov s14  }
0x1b1: {  	s15 =	sadd.s32 $0x1, s14;
	v21 =	vld [tilespmem:s13+$0x0];
	s16 =	sadd.s32 $0x3, s14;
	v22 =	vand.u32 $0x7C, v20;
	v20 =	vshll.u32 v20, $0x3  }
0x1b2: {  	v23 =	vmov s15;
	s15 =	sadd.s32 $0x2, s14;
	v24 =	vmov s16;
	v20 =	vand.u32 $0x400, v20  }
0x1b3: {  	v25 =	vmov s15;
	v26 =	vand.u32 $0x7D, v23;
	v27 =	vshll.u32 v24, $0x3  }
0x1b4: {  	v24 =	vand.u32 $0x7F, v24;
	v23 =	vshll.u32 v23, $0x3;
	v27 =	vand.u32 $0x400, v27  }
0x1b5: {  	v29 =	vld [tilespmem:s10+$0xFFFFFFD0];
	v28 =	vand.u32 $0x7E, v25;
	v25 =	vshll.u32 v25, $0x3;
	v24 =	vor.u32 v24, v27  }
0x1b6: {  	v20 =	vor.u32 v22, v20;
	v22 =	vand.u32 $0x400, v23;
	v17 =	vld.idx.msk [tilespmem:v17+s31+$0x0], $0xffff;
	v23 =	vor.u32 v2, v24  }
0x1b7: {  	v60 =	vor.u32 v2, v20;
	v22 =	vor.u32 v26, v22;
	v25 =	vand.u32 $0x400, v25;
	v18 =	vld.idx.msk [tilespmem:v18+s31+$0x0], $0xffff  }
0x1b8: {  	v26 =	vor.u32 v2, v22;
	v25 =	vor.u32 v28, v25;
	v19 =	vld.idx.msk [tilespmem:v19+s31+$0x0], $0xffff  }
0x1b9: {  	v28 =	vor.u32 v2, v25;
	v21 =	vld.idx.msk [tilespmem:v21+s31+$0x0], $0xffff  }
0x1ba: {  	[tilespmem:v16+s29+$0x0] =	vst.idx.msk $0xffff, v13;
	v13 =	vld [tilespmem:s10+$0xFFFFFFF0]  }
0x1bb: {  	v16 =	vld [tilespmem:s10+$0x10];
	[tilespmem:v23+s29+$0x0] =	vst.idx.msk $0xffff, v17  }
0x1bc: {  	v17 =	vld [tilespmem:s13+$0x30];
	[tilespmem:v60+s29+$0x0] =	vst.idx.msk $0xffff, v18  }
0x1bd: {  	[tilespmem:v26+s29+$0x0] =	vst.idx.msk $0xffff, v19;
	v18 =	vld [tilespmem:s13+$0xFFFFFFD0]  }
0x1be: {  	[tilespmem:v28+s29+$0x0] =	vst.idx.msk $0xffff, v21;
	v19 =	vld [tilespmem:s13+$0xFFFFFFF0]  }
0x1bf: {  	v21 =	vld [tilespmem:s13+$0x10]  }
0x1c0: {  	v4 =	vor.u32 v3, v4;
	v10 =	vld.idx.msk [tilespmem:v10+s31+$0x0], $0xffff  }
0x1c1: {  	v5 =	vor.u32 v3, v5;
	v23 =	vld.idx.msk [tilespmem:v29+s31+$0x0], $0xffff  }
0x1c2: {  	[tilespmem:v12+s29+$0x0] =	vst.idx.msk $0xffff, v11;
	v6 =	vor.u32 v3, v6;
	v11 =	vld.idx.msk [tilespmem:v13+s31+$0x0], $0xffff  }
0x1c3: {  	v7 =	vor.u32 v3, v7;
	[tilespmem:v15+s29+$0x0] =	vst.idx.msk $0xffff, v9;
	v9 =	vld.idx.msk [tilespmem:v16+s31+$0x0], $0xffff  }
0x1c4: {  	[tilespmem:v14+s29+$0x0] =	vst.idx.msk $0xffff, v8;
	v12 =	vor.u32 v3, v24;
	v8 =	vld.idx.msk [tilespmem:v17+s31+$0x0], $0xffff  }
0x1c5: {  	[tilespmem:v4+s29+$0x0] =	vst.idx.msk $0xffff, v10;
	v10 =	vor.u32 v3, v20;
	v4 =	vld.idx.msk [tilespmem:v18+s31+$0x0], $0xffff  }
0x1c6: {  	v13 =	vor.u32 v3, v22;
	[tilespmem:v5+s29+$0x0] =	vst.idx.msk $0xffff, v23;
	v5 =	vld.idx.msk [tilespmem:v19+s31+$0x0], $0xffff  }
0x1c7: {  	[tilespmem:v6+s29+$0x0] =	vst.idx.msk $0xffff, v11;
	v11 =	vor.u32 v3, v25;
	v6 =	vld.idx.msk [tilespmem:v21+s31+$0x0], $0xffff  }
0x1c8: {  	s10 =	sadd.s32 $0x3, s11;
	[tilespmem:v7+s29+$0x0] =	vst.idx.msk $0xffff, v9  }
0x1c9: {  	s17 =	smin.u32 s11, $0x7D;
	s16 =	sshll.u32 s10, $0x10;
	[tilespmem:v12+s29+$0x0] =	vst.idx.msk $0xffff, v8  }
0x1ca: {  	s11 =	sshll.u32 s17, $0xD;
	s13 =	sadd.s32 s8, s16;
	[tilespmem:v10+s29+$0x0] =	vst.idx.msk $0xffff, v4  }
0x1cb: {  	s11 =	sadd.s32 s11, s18;
	s13 =	sshrl.u32 s13, $0x3;
	[tilespmem:v13+s29+$0x0] =	vst.idx.msk $0xffff, v5  }
0x1cc: {  	s11 =	sshrl.u32 s11, $0x3;
	s13 =	sadd.s32 s13, s12;
	[tilespmem:v11+s29+$0x0] =	vst.idx.msk $0xffff, v6  }
0x1cd: {  	[hbm4b:s13+s30] =	stream.strided.scatter [tilespmem:s29], [sflag:$0x3], $0x2000, s25, s30, $0x38;
	[tilespmem:$0x12380] =	vst v63  }
0x1ce: {  	s11 =	sadd.s32 s3, s11  }
0x1cf: {  	[tilespmem:s31], [sflag:$0x1] =	stream.linear.gather [hbm4b:s11+s2], $0x2000, $0x38;
	[tilespmem:$0x12380] =	vst v63  }
0x1d0: {  	_ =	swait.ge [sflag:s23], $0x2000  }
0x1d1: {  	[sflag:s23] =	ssyncset.done $0x0  }
0x1d2: {  	s11 =	simm.s32 @!p0 $0x4;
	[sflag:s23] =	ssyncadd.s32 $0xFFFFE000  }
0x1d3: {  	_ =	swait.ge @!p0 [sflag:s11], $0x2000  }
0x1d4: {  	[sflag:s11] =	ssyncset.done @!p0 $0x0  }
0x1d5: {  	s13 =	simm.s32 $0x6340;
	[sflag:s11] =	ssyncadd.s32 @!p0 $0xFFFFE000  }
0x1d6: {  	v4 =	vld [tilespmem:s13+$0x20]  }
0x1d7: {  	v5 =	vld [tilespmem:s13+$0xFFFFFFC0];
	_ =	sdelay $0x1  }
0x1d8: {  	s19 =	simm.s32 $0x3  }
0x1d9: {  	v8 =	vmov s19;
	v6 =	vld [tilespmem:s13+$0xFFFFFFE0]  }
0x1da: {  	v9 =	vshll.u32 v8, $0x3;
	v7 =	vld [tilespmem:s13+$0x0];
	v4 =	vadd.s32 $0x2000, v4  }
0x1db: {  	s26 =	simm.s32 $0x0;
	v8 =	vand.u32 $0x7F, v8;
	v9 =	vand.u32 $0x400, v9;
	v5 =	vadd.s32 $0x2000, v5  }
0x1dc: {  	v8 =	vor.u32 v8, v9;
	v9 =	vmov s26  }
0x1dd: {  	v11 =	vshll.u32 v9, $0x3  }
0x1de: {  	v9 =	vand.u32 $0x7C, v9;
	v11 =	vand.u32 $0x400, v11;
	v6 =	vadd.s32 $0x2000, v6  }
0x1df: {  	v10 =	vor.u32 v2, v8;
	v15 =	vor.u32 v9, v11;
	v7 =	vadd.s32 $0x2000, v7;
	v4 =	vld.idx.msk [tilespmem:v4+s31+$0x0], $0xffff  }
0x1e0: {  	v13 =	vor.u32 v2, v15;
	s11 =	simm.s32 $0x63C0;
	v12 =	vld.idx.msk [tilespmem:v5+s31+$0x0], $0xffff  }
0x1e1: {  	s14 =	simm.s32 $0x1;
	v16 =	vld [tilespmem:s11+$0x20]  }
0x1e2: {  	s15 =	simm.s32 $0x2;
	v17 =	vld [tilespmem:s11+$0xFFFFFFE0];
	v5 =	vmov s14  }
0x1e3: {  	v9 =	vmov s15;
	v6 =	vld.idx.msk [tilespmem:v6+s31+$0x0], $0xffff;
	v11 =	vshll.u32 v5, $0x3  }
0x1e4: {  	v14 =	vshll.u32 v9, $0x3;
	v7 =	vld.idx.msk [tilespmem:v7+s31+$0x0], $0xffff;
	v5 =	vand.u32 $0x7D, v5;
	v11 =	vand.u32 $0x400, v11;
	[tilespmem:v10+s24+$0x0] =	vst.idx.msk $0xffff, v4  }
0x1e5: {  	v9 =	vand.u32 $0x7E, v9;
	v4 =	vor.u32 v5, v11;
	v5 =	vand.u32 $0x400, v14;
	[tilespmem:v13+s24+$0x0] =	vst.idx.msk $0xffff, v12;
	v12 =	vld [tilespmem:s11+$0x0]  }
0x1e6: {  	v10 =	vld [tilespmem:s13+$0x30];
	v11 =	vor.u32 v2, v4;
	v5 =	vor.u32 v9, v5  }
0x1e7: {  	v9 =	vld [tilespmem:s11+$0xFFFFFFC0];
	v14 =	vor.u32 v2, v5  }
0x1e8: {  	s26 =	simm.s32 $0x6;
	v16 =	vadd.s32 $0x2000, v16;
	v18 =	vld [tilespmem:s13+$0xFFFFFFD0]  }
0x1e9: {  	s16 =	simm.s32 $0x4;
	v20 =	vmov s26;
	v17 =	vadd.s32 $0x2000, v17  }
0x1ea: {  	v63 =	vand.u32 $0x7E, v20;
	v13 =	vmov s16  }
0x1eb: {  	s17 =	simm.s32 $0x7;
	v19 =	vand.u32 $0x7C, v13;
	v21 =	vadd.s32 $0x2000, v12;
	v10 =	vadd.s32 $0x2000, v10;
	[tilespmem:v11+s24+$0x0] =	vst.idx.msk $0xffff, v6  }
0x1ec: {  	s19 =	simm.s32 $0x5;
	v11 =	vshll.u32 v13, $0x3;
	v9 =	vadd.s32 $0x2000, v9;
	v6 =	vmov s17;
	[tilespmem:v14+s24+$0x0] =	vst.idx.msk $0xffff, v7;
	v14 =	vld [tilespmem:s13+$0xFFFFFFF0]  }
0x1ed: {  	v23 =	vld.idx.msk [tilespmem:v16+s31+$0x0], $0xffff;
	v13 =	vmov s19;
	v61 =	vadd.s32 $0x2000, v18;
	v7 =	vshll.u32 v6, $0x3  }
0x1ee: {  	v16 =	vld.idx.msk [tilespmem:v17+s31+$0x0], $0xffff;
	v18 =	vshll.u32 v20, $0x3;
	v6 =	vand.u32 $0x7F, v6;
	v7 =	vand.u32 $0x400, v7  }
0x1ef: {  	v22 =	vld [tilespmem:s13+$0x10];
	v6 =	vor.u32 v6, v7;
	v7 =	vand.u32 $0x400, v11;
	v11 =	vand.u32 $0x7D, v13  }
0x1f0: {  	v13 =	vshll.u32 v13, $0x3;
	v62 =	vor.u32 v2, v6;
	v7 =	vor.u32 v19, v7;
	v12 =	vld.idx.msk [tilespmem:v10+s31+$0x0], $0xffff  }
0x1f1: {  	v20 =	vld.idx.msk [tilespmem:v9+s31+$0x0], $0xffff;
	v9 =	vand.u32 $0x400, v13;
	v10 =	vadd.s32 $0x2000, v14;
	v14 =	vor.u32 v3, v8  }
0x1f2: {  	v17 =	vld.idx.msk [tilespmem:v21+s31+$0x0], $0xffff;
	v21 =	vor.u32 v2, v7;
	v9 =	vor.u32 v11, v9;
	v8 =	vand.u32 $0x400, v18  }
0x1f3: {  	v18 =	vor.u32 v2, v9;
	v8 =	vor.u32 v63, v8  }
0x1f4: {  	s13 =	simm.s32 $0x6440;
	v13 =	vld.idx.msk [tilespmem:v61+s31+$0x0], $0xffff;
	v19 =	vor.u32 v2, v8  }
0x1f5: {  	v15 =	vor.u32 v3, v15;
	s14 =	simm.s32 $0x8;
	s16 =	simm.s32 $0xC;
	v11 =	vadd.s32 $0x2000, v22;
	v22 =	vld [tilespmem:s13+$0x20];
	[tilespmem:v62+s24+$0x0] =	vst.idx.msk $0xffff, v23  }
.LBB2_15:
0x1f6: {  	p0 =	slt.u32 s16, $0xFC;
	v23 =	vld [tilespmem:s11+$0x30];
	[tilespmem:v14+s24+$0x0] =	vst.idx.msk $0xffff, v12  }
0x1f7: {  	v12 =	vmov s14;
	v14 =	vld [tilespmem:s13+$0xFFFFFFC0];
	[tilespmem:v21+s24+$0x0] =	vst.idx.msk $0xffff, v20  }
0x1f8: {  	s15 =	sadd.s32 $0x1, s14;
	s17 =	sadd.s32 $0x2, s14;
	v20 =	vand.u32 $0x7C, v12;
	v21 =	vld [tilespmem:s13+$0xFFFFFFE0];
	[tilespmem:v18+s24+$0x0] =	vst.idx.msk $0xffff, v16  }
0x1f9: {  	v12 =	vshll.u32 v12, $0x3;
	v16 =	vmov s15;
	v18 =	vmov s17;
	v24 =	vld [tilespmem:s13+$0x0];
	[tilespmem:v19+s24+$0x0] =	vst.idx.msk $0xffff, v17  }
0x1fa: {  	v12 =	vand.u32 $0x400, v12;
	v17 =	vand.u32 $0x7D, v16;
	v19 =	vadd.s32 $0x2000, v22;
	v22 =	vld [tilespmem:s11+$0xFFFFFFD0];
	[tilespmem:v15+s24+$0x0] =	vst.idx.msk $0xffff, v13  }
0x1fb: {  	s15 =	sadd.s32 $0x3, s14;
	s14 =	smov.u32 s16;
	v13 =	vshll.u32 v16, $0x3;
	v15 =	vand.u32 $0x7E, v18;
	v16 =	vld [tilespmem:s11+$0xFFFFFFF0];
	v23 =	vadd.s32 $0x2000, v23  }
0x1fc: {  	v25 =	vmov s15;
	v18 =	vshll.u32 v18, $0x3;
	v14 =	vadd.s32 $0x2000, v14;
	v26 =	vld [tilespmem:s11+$0x10];
	s11 =	smov.u32 s13  }
0x1fd: {  	v29 =	vor.u32 v3, v4;
	v4 =	vmovc v9;
	v27 =	vadd.s32 $0x2000, v21;
	v21 =	vshll.u32 v25, $0x3;
	v28 =	vld.idx.msk [tilespmem:v10+s31+$0x0], $0xffff  }
0x1fe: {  	v9 =	vand.u32 $0x7F, v25;
	v24 =	vadd.s32 $0x2000, v24;
	v10 =	vand.u32 $0x400, v21;
	v25 =	vld.idx.msk [tilespmem:v11+s31+$0x0], $0xffff  }
0x1ff: {  	v31 =	vor.u32 v3, v5;
	v5 =	vmovc v8;
	v30 =	vld.idx.msk [tilespmem:v19+s31+$0x0], $0xffff;
	v9 =	vor.u32 v9, v10;
	v22 =	vadd.s32 $0x2000, v22  }
0x200: {  	v32 =	vor.u32 v20, v12;
	v33 =	vor.u32 v2, v9;
	v10 =	vadd.s32 $0x2000, v16;
	v12 =	vld.idx.msk [tilespmem:v23+s31+$0x0], $0xffff  }
.Ltmp6:
0x201: {  	v8 =	vand.u32 $0x400, v13;
	v20 =	vld.idx.msk [tilespmem:v14+s31+$0x0], $0xffff;
	v11 =	vadd.s32 $0x2000, v26;
	v14 =	vor.u32 v3, v6;
	v6 =	vmovc v9;
	(pc) =	sbr.rel @p0 .LBB2_15-.Ltmp6, $4  }
0x202: {  	v21 =	vor.u32 v2, v32;
	v9 =	vor.u32 v17, v8;
	v8 =	vand.u32 $0x400, v18;
	v16 =	vld.idx.msk [tilespmem:v27+s31+$0x0], $0xffff  }
0x203: {  	v18 =	vor.u32 v2, v9;
	v8 =	vor.u32 v15, v8;
	v17 =	vld.idx.msk [tilespmem:v24+s31+$0x0], $0xffff;
	[tilespmem:v29+s24+$0x0] =	vst.idx.msk $0xffff, v28  }
0x204: {  	s13 =	sadd.s32 $0x80, s13;
	v19 =	vor.u32 v2, v8;
	v13 =	vld.idx.msk [tilespmem:v22+s31+$0x0], $0xffff;
	[tilespmem:v31+s24+$0x0] =	vst.idx.msk $0xffff, v25  }
0x205: {  	s16 =	sadd.s32 $0x4, s16;
	v15 =	vor.u32 v3, v7;
	v7 =	vmov v32;
	v22 =	vld [tilespmem:s13+$0x20];
	[tilespmem:v33+s24+$0x0] =	vst.idx.msk $0xffff, v30  }
0x206: {  	v23 =	vld [tilespmem:s13+$0xFFFFFFC0]  }
0x207: {  	v24 =	vld [tilespmem:s13+$0xFFFFFFE0]  }
0x208: {  	v25 =	vmov s14;
	s15 =	sadd.s32 $0x1, s14;
	v26 =	vld [tilespmem:s13+$0x0]  }
0x209: {  	s16 =	sadd.s32 $0x2, s14;
	s19 =	sadd.s32 $0x3, s14;
	v27 =	vand.u32 $0x7C, v25;
	v25 =	vshll.u32 v25, $0x3;
	v28 =	vmov s15  }
0x20a: {  	v29 =	vmov s16;
	v31 =	vmov s19;
	v22 =	vadd.s32 $0x2000, v22  }
0x20b: {  	v25 =	vand.u32 $0x400, v25;
	v30 =	vand.u32 $0x7D, v28;
	v23 =	vadd.s32 $0x2000, v23  }
0x20c: {  	v28 =	vshll.u32 v28, $0x3;
	v32 =	vshll.u32 v31, $0x3;
	v24 =	vadd.s32 $0x2000, v24  }
0x20d: {  	[tilespmem:v21+s24+$0x0] =	vst.idx.msk $0xffff, v20;
	v37 =	vld [tilespmem:s11+$0x30];
	v39 =	vand.u32 $0x7F, v31;
	v40 =	vand.u32 $0x400, v32;
	v38 =	vadd.s32 $0x2000, v26  }
0x20e: {  	v41 =	vld [tilespmem:s11+$0xFFFFFFD0];
	v42 =	vand.u32 $0x7E, v29;
	v29 =	vshll.u32 v29, $0x3;
	v26 =	vor.u32 v39, v40  }
0x20f: {  	v25 =	vor.u32 v27, v25;
	v28 =	vand.u32 $0x400, v28;
	v43 =	vor.u32 v2, v26;
	v22 =	vld.idx.msk [tilespmem:v22+s31+$0x0], $0xffff  }
0x210: {  	v29 =	vand.u32 $0x400, v29;
	v28 =	vor.u32 v30, v28;
	v44 =	vor.u32 v2, v25;
	v23 =	vld.idx.msk [tilespmem:v23+s31+$0x0], $0xffff  }
0x211: {  	v29 =	vor.u32 v42, v29;
	v45 =	vor.u32 v2, v28;
	v24 =	vld.idx.msk [tilespmem:v24+s31+$0x0], $0xffff  }
0x212: {  	[tilespmem:v18+s24+$0x0] =	vst.idx.msk $0xffff, v16;
	v47 =	vor.u32 v2, v29;
	v46 =	vld.idx.msk [tilespmem:v38+s31+$0x0], $0xffff  }
0x213: {  	[tilespmem:v19+s24+$0x0] =	vst.idx.msk $0xffff, v17;
	v48 =	vld [tilespmem:s11+$0xFFFFFFF0]  }
0x214: {  	v19 =	vld [tilespmem:s11+$0x10];
	[tilespmem:v43+s24+$0x0] =	vst.idx.msk $0xffff, v22  }
0x215: {  	[tilespmem:v44+s24+$0x0] =	vst.idx.msk $0xffff, v23;
	v49 =	vld [tilespmem:s13+$0x30]  }
0x216: {  	v20 =	vadd.s32 $0x2000, v37;
	[tilespmem:v45+s24+$0x0] =	vst.idx.msk $0xffff, v24;
	v50 =	vld [tilespmem:s13+$0xFFFFFFD0]  }
0x217: {  	v51 =	vadd.s32 $0x2000, v41;
	[tilespmem:v47+s24+$0x0] =	vst.idx.msk $0xffff, v46;
	v52 =	vld [tilespmem:s13+$0xFFFFFFF0]  }
0x218: {  	v17 =	vadd.s32 $0x2000, v48;
	v18 =	vld [tilespmem:s13+$0x10]  }
0x219: {  	v10 =	vld.idx.msk [tilespmem:v10+s31+$0x0], $0xffff;
	v4 =	vor.u32 v3, v4;
	v19 =	vadd.s32 $0x2000, v19  }
0x21a: {  	v11 =	vld.idx.msk [tilespmem:v11+s31+$0x0], $0xffff;
	v5 =	vor.u32 v3, v5;
	v21 =	vadd.s32 $0x2000, v49  }
0x21b: {  	v6 =	vor.u32 v3, v6;
	v20 =	vld.idx.msk [tilespmem:v20+s31+$0x0], $0xffff;
	v22 =	vadd.s32 $0x2000, v50  }
0x21c: {  	[tilespmem:v14+s24+$0x0] =	vst.idx.msk $0xffff, v12;
	v7 =	vor.u32 v3, v7;
	v53 =	vld.idx.msk [tilespmem:v51+s31+$0x0], $0xffff;
	v54 =	vadd.s32 $0x2000, v52  }
0x21d: {  	v9 =	vor.u32 v3, v9;
	[tilespmem:v15+s24+$0x0] =	vst.idx.msk $0xffff, v13;
	v55 =	vld.idx.msk [tilespmem:v17+s31+$0x0], $0xffff;
	v56 =	vadd.s32 $0x2000, v18  }
0x21e: {  	v8 =	vor.u32 v3, v8;
	[tilespmem:v4+s24+$0x0] =	vst.idx.msk $0xffff, v10;
	v4 =	vld.idx.msk [tilespmem:v19+s31+$0x0], $0xffff  }
0x21f: {  	[tilespmem:v5+s24+$0x0] =	vst.idx.msk $0xffff, v11;
	v57 =	vor.u32 v3, v26;
	v5 =	vld.idx.msk [tilespmem:v21+s31+$0x0], $0xffff  }
0x220: {  	v59 =	vor.u32 v3, v25;
	[tilespmem:v6+s24+$0x0] =	vst.idx.msk $0xffff, v20;
	v58 =	vld.idx.msk [tilespmem:v22+s31+$0x0], $0xffff  }
0x221: {  	v61 =	vor.u32 v3, v28;
	[tilespmem:v7+s24+$0x0] =	vst.idx.msk $0xffff, v53;
	v60 =	vld.idx.msk [tilespmem:v54+s31+$0x0], $0xffff  }
0x222: {  	v63 =	vor.u32 v3, v29;
	[tilespmem:v9+s24+$0x0] =	vst.idx.msk $0xffff, v55;
	v62 =	vld.idx.msk [tilespmem:v56+s31+$0x0], $0xffff  }
0x223: {  	[tilespmem:v8+s24+$0x0] =	vst.idx.msk $0xffff, v4  }
0x224: {  	s26 =	sshll.u32 s9, $0xE;
	s10 =	smin.u32 s10, $0x7F;
	s9 =	sadd.s32 $0x1, s9;
	[tilespmem:v57+s24+$0x0] =	vst.idx.msk $0xffff, v5  }
0x225: {  	s10 =	sshll.u32 s10, $0xD;
	p0 =	sne.s32 s9, $0x40;
	[tilespmem:v59+s24+$0x0] =	vst.idx.msk $0xffff, v58  }
.Ltmp7:
0x226: {  	s10 =	sor.u32 s4, s10;
	[tilespmem:v61+s24+$0x0] =	vst.idx.msk $0xffff, v60;
	(pc) =	sbr.rel @p0 .LBB2_12-.Ltmp7, $4  }
0x227: {  	s11 =	sadd.s32 s20, s26;
	s10 =	sshrl.u32 s10, $0x3;
	[tilespmem:v63+s24+$0x0] =	vst.idx.msk $0xffff, v62  }
0x228: {  	[hbm4b:s11+s30] =	stream.strided.scatter [tilespmem:s24], [sflag:$0x4], $0x2000, s25, s30, $0x38;
	[tilespmem:$0x12380] =	vst v63  }
0x229: {  	s10 =	sadd.s32 s3, s10  }
0x22a: {  	[tilespmem:s0], [sflag:$0x2] =	stream.linear.gather [hbm4b:s10+s2], $0x2000, $0x38;
	[tilespmem:$0x12380] =	vst v63  }
0x22b: {  	_ =	swait.ge [sflag:s1], $0x2000  }
0x22c: {  	[sflag:s1] =	ssyncset.done $0x0  }
0x22d: {  	[sflag:s1] =	ssyncadd.s32 $0xFFFFE000  }
0x22e: {  	_ =	swait.ge [sflag:s23], $0x2000  }
0x22f: {  	[sflag:s23] =	ssyncset.done $0x0  }
0x230: {  	s7 =	simm.s32 $0x3;
	[sflag:s23] =	ssyncadd.s32 $0xFFFFE000  }
0x231: {  	_ =	swait.ge [sflag:s7], $0x2000  }
0x232: {  	[sflag:s7] =	ssyncset.done $0x0  }
0x233: {  	[sflag:s7] =	ssyncadd.s32 $0xFFFFE000  }
0x234: {  	_ =	swait.ge [sflag:s5], $0x2000  }
0x235: {  	s6 =	sadd.s32 $0x1, s6;
	s26 =	rddreg [dreg:$0xe]  }
0x236: {  	p0 =	sne.s32 s6, s26  }
.Ltmp8:
0x237: {  	_ = 	snop;
	(pc) =	sbr.rel @p0 .LBB2_1-.Ltmp8, $3  }
0x238: {  	_ =	sdelay $0x1  }
0x239: {  	[sflag:s5] =	ssyncset.done $0x0  }
0x23a: {  	[sflag:s5] =	ssyncadd.s32 $0xFFFFE000  }
0x23b: {  	_ =	sfence.sel $0x180000  }
0x23c: {  	[bflag:$0x0] =	sbarrier.arrive $0xFFFF  }
0x23d: {  	_ =	strace $0x90000047  }
0x23e: {  	s0 =	stileid.u32;
	[bflag:$0x2] =	sbarrier.arrive $0xFFFF  }
0x23f: {  	p0 =	sne.s32 s0, $0x0;
	s0 =	rddreg [dreg:$0x2]  }
0x240: {  	s0 =	sadd.s32 @!p0 $0x100000, s0  }
0x241: {  	[sflag:s0] =	ssyncadd.tile.s32 @!p0 $0x1;
	_ =	shalt  }
.Lfunc_end2:
_tile_overlayer_lowered:
.L_overlay_start_2:
0x242: {  	(tag) =	ssettag $0x2  }
0x243: {  	s0 =	rddreg [dreg:$0x0];
	s2 =	stileid.u32  }
0x244: {  	s1 =	rddreg [dreg:$0x1];
	p0 =	sne.s32 s2, $0x0  }
0x245: {  	s3 =	rddreg [dreg:$0x2];
	[bflag:$0x3] =	sbarrier.arrive $0xFFFF;
	s2 =	simm.s32 @!p0 $0x1C05  }
0x246: {  	[timem:s3], [sflag:s2] =	dma.local @!p0 [hbm:s0], s1  }
0x247: {  	s0 =	simm.s32 @!p0 $0x5  }
0x248: {  	_ =	swait.ge @!p0 [sflag:s0], s1  }
0x249: {  	s1 =	ssub.s32 @!p0 $0x0, s1;
	[sflag:s0] =	ssyncset.done @!p0 $0x0  }
0x24a: {  	[sflag:s0] =	ssyncadd.s32 @!p0 s1  }
0x24b: {  	[bflag:$0x3] =	sbarrier.arrive $0xFFFF  }
0x24c: {  	_ =	shalt  }

</sc_bundles>
